<compile_context>
chip_gen: v7x
topology: tpu7x:2x2x1
jax: 0.10.2.dev20260603
libtpu: 0.0.44.dev20260713+nightly
codegen_flags: <defaults>
</compile_context>

<pallas_src>
import jax
import jax.numpy as jnp
from jax import lax
from jax.experimental import pallas as pl
from jax.experimental.pallas import tpu as pltpu
from jax.experimental.pallas import tpu_sc as plsc

DIM = 512
DIM_KQ = 8
DIM_V = 16
TBL = 2 * DIM - 1
LANES = 16
NC, NS = 2, 16
N_BANK = 8
BW_SC = 640
BW_TC = 1024
N_GRP = DIM // LANES


def _sc_body(rel_hbm, rev_hbm, q_hbm, k_hbm, tbl_v, c3_v, sem):
    del rev_hbm
    wid = lax.axis_index("s") * NC + lax.axis_index("c")
    ch = lax.shift_right_logical(wid, 1)
    p = lax.bitwise_and(wid, 1)
    pltpu.sync_copy(rel_hbm.at[ch], tbl_v)
    iota = lax.iota(jnp.int32, LANES)

    qo = 256 * (1 - p)

    @pl.loop(0, N_BANK)
    def _bank(l):
        @plsc.parallel_loop(0, BW_SC // LANES, 1, unroll=2)
        def _chunk(k):
            for u in range(LANES):
                idx = (1007 + u - 16 * k) - 16 * l - qo - iota
                vals = plsc.load_gather(tbl_v, [jnp.clip(idx, 0, TBL - 1)])
                c3_v[l, u, pl.ds(k * LANES, LANES)] = vals

        for h_rel in range(2):
            n = 31 - l - 8 * (2 * (1 - p) + h_rel)
            src = c3_v.at[l, :, pl.ds(128 * h_rel, DIM)]
            rows = pl.ds(16 * n, 16)

            @pl.when(ch < DIM_KQ)
            def _():
                pltpu.async_copy(src, q_hbm.at[ch, rows], sem)

            @pl.when(ch >= DIM_KQ)
            def _():
                pltpu.async_copy(src, k_hbm.at[ch - DIM_KQ, rows], sem)

    @pl.loop(0, LANES)
    def _drain(n):
        pltpu.make_async_copy(
            c3_v.at[0, :, pl.ds(0, DIM)], q_hbm.at[0, pl.ds(0, 16)], sem
        ).wait()


def _sc_call(relative, rev):
    return pl.kernel(
        _sc_body,
        out_type=(
            jax.ShapeDtypeStruct((DIM_KQ, DIM, DIM), jnp.float32),
            jax.ShapeDtypeStruct((DIM_KQ, DIM, DIM), jnp.float32),
        ),
        mesh=plsc.VectorSubcoreMesh(
            core_axis_name="c", subcore_axis_name="s",
            num_cores=NC, num_subcores=NS,
        ),
        scratch_types=[
            pltpu.VMEM((TBL,), jnp.float32),
            pltpu.VMEM((N_BANK, LANES, BW_SC), jnp.float32),
            pltpu.SemaphoreType.DMA,
        ],
        compiler_params=pltpu.CompilerParams(
            needs_layout_passes=False, skip_device_barrier=True,
        ),
    )(relative, rev)


TC_CPB = 2


def _tc_body(rel_ref, o_ref):
    for cc in range(TC_CPB):
        flip = rel_ref[cc]
        ext = jnp.concatenate([flip, flip[:, -1:]], axis=1)
        x16 = jnp.broadcast_to(ext, (LANES, BW_TC))
        for l in range(N_BANK):
            bank = pltpu.roll(
                x16, BW_TC - (16 * l + 15), 1, stride=1, stride_axis=0)
            for h in range(4):
                n = 31 - l - 8 * h
                o_ref[cc, pl.ds(16 * n, 16), :] = (
                    bank[:, 128 * h:128 * h + DIM])


def _tc_call(relative):
    return pl.pallas_call(
        _tc_body,
        grid=(DIM_V // TC_CPB,),
        in_specs=[pl.BlockSpec((TC_CPB, 1, TBL), lambda i: (i, 0, 0))],
        out_specs=pl.BlockSpec((TC_CPB, DIM, DIM), lambda i: (i, 0, 0)),
        out_shape=jax.ShapeDtypeStruct((DIM_V, DIM, DIM), jnp.float32),
    )(relative)


def kernel(relative):
    rev = relative[2 * DIM_KQ:, None, ::-1]
    q, k = _sc_call(relative, rev)
    v = _tc_call(rev)
    return q, k, v

# --- scband reference (transcript-rebuilt; emitter-appended) ---
"""Pipeline reference for scband-relative2-dpos-enc-qkv-13950053777692 (READ-ONLY COPY).

The authoritative reference and input builder live on the scoring server;
editing this copy changes nothing except your own understanding.
"""

import jax, jax.numpy as jnp
import numpy as np

DIM = 512        # dim_head (axial spatial length)
DIM_V = 16
DIM_KQ = 8
QKV_CHAN = 2 * DIM_KQ + DIM_V  # 32


def setup_inputs(seed: int = 0) -> dict:
    key = jax.random.key(seed)
    relative = jax.random.normal(key, (QKV_CHAN, DIM * 2 - 1), dtype=jnp.float32)
    return {"relative": relative}


def _relative_index(dim):
    query_index = jnp.arange(dim)[None, :]   # (1, dim)
    key_index = jnp.arange(dim)[:, None]     # (dim, 1)
    rel = key_index - query_index + dim - 1  # (dim, dim)
    return rel.reshape(-1)                   # (dim*dim,)


def reference(relative) -> tuple:
    rel_idx = _relative_index(DIM)                       # int indices in [0, 2*DIM-2]
    all_embeddings = jnp.take(relative, rel_idx, axis=1) # (C, DIM*DIM) gather
    all_embeddings = all_embeddings.reshape(QKV_CHAN, DIM, DIM)
    q_embedding = all_embeddings[:DIM_KQ]                          # (8, 512, 512)
    k_embedding = all_embeddings[DIM_KQ:2 * DIM_KQ]                # (8, 512, 512)
    v_embedding = all_embeddings[2 * DIM_KQ:2 * DIM_KQ + DIM_V]    # (16, 512, 512)
    return (q_embedding, k_embedding, v_embedding)

if __name__ == "__main__":
    import jax
    _d = setup_inputs()
    print(jax.jit(kernel)(*tuple(_d.values())))

</pallas_src>

<mosaic_0001>
#map = affine_map<(d0, d1) -> (0, 0)>
#map1 = affine_map<(d0, d1) -> (0, 0, 0)>
module attributes {stable_mosaic.version = 14 : i64} {
  func.func @_sc_body(%arg0: i32, %arg1: i32, %arg2: memref<32x1023xf32, #tpu.memory_space<hbm>>, %arg3: memref<16x1x1023xf32, #tpu.memory_space<hbm>>, %arg4: memref<8x512x512xf32, #tpu.memory_space<hbm>>, %arg5: memref<8x512x512xf32, #tpu.memory_space<hbm>>, %arg6: memref<1023xf32, #tpu.memory_space<vmem>>, %arg7: memref<8x16x640xf32, #tpu.memory_space<vmem>>, %arg8: memref<!tpu.dma_semaphore, #tpu.memory_space<semaphore_mem>>) attributes {dimension_semantics = [#tpu.dimension_semantics<core_parallel>, #tpu.dimension_semantics<subcore_parallel>], iteration_bounds = array<i64: 2, 16>, scalar_prefetch = 0 : i64, scratch_operands = 3 : i64, tpu.core_type = #tpu.core_type<sc_vector_subcore>, window_params = [{transform_indices = #map}, {transform_indices = #map1}, {transform_indices = #map1}, {transform_indices = #map1}]} {
    %mul3A = arith.constant 2 : i32
    %mul3A_0 = arith.muli %arg1, %mul3A : i32
    %add3A = arith.addi %mul3A_0, %arg0 : i32
    %shift_right_logical3A = arith.constant 1 : i32
    %shift_right_logical3A_1 = arith.shrui %add3A, %shift_right_logical3A : i32
    %and3A = arith.constant 1 : i32
    %and3A_2 = arith.andi %add3A, %and3A : i32
    "tpu.region"() ({
      %run_scoped3A = tpu.sem_alloc : memref<!tpu.dma_semaphore, #tpu.memory_space<semaphore_mem>>
      %dma_start3A = arith.constant 0 : i32
      %dma_start3A_15 = tpu.memref_slice %arg2[%shift_right_logical3A_1, %dma_start3A] : memref<32x1023xf32, #tpu.memory_space<hbm>> -> memref<1x1023xf32, #tpu.memory_space<hbm>>
      %dma_start3A_16 = tpu.memref_squeeze %dma_start3A_15 : memref<1x1023xf32, #tpu.memory_space<hbm>> -> memref<1023xf32, #tpu.memory_space<hbm>>
      %dma_start3A_17 = arith.constant 0 : i32
      %dma_start3A_18 = tpu.memref_slice %arg2[%shift_right_logical3A_1, %dma_start3A_17] : memref<32x1023xf32, #tpu.memory_space<hbm>> -> memref<1x1023xf32, #tpu.memory_space<hbm>>
      %dma_start3A_19 = tpu.memref_squeeze %dma_start3A_18 : memref<1x1023xf32, #tpu.memory_space<hbm>> -> memref<1023xf32, #tpu.memory_space<hbm>>
      tpu.enqueue_dma source(%dma_start3A_19 : memref<1023xf32, #tpu.memory_space<hbm>>) target(%arg6 : memref<1023xf32, #tpu.memory_space<vmem>>) target_semaphore(%run_scoped3A : memref<!tpu.dma_semaphore, #tpu.memory_space<semaphore_mem>>)
      %dma_wait3A = arith.constant 0 : i32
      %dma_wait3A_20 = tpu.memref_slice %arg2[%shift_right_logical3A_1, %dma_wait3A] : memref<32x1023xf32, #tpu.memory_space<hbm>> -> memref<1x1023xf32, #tpu.memory_space<hbm>>
      %dma_wait3A_21 = tpu.memref_squeeze %dma_wait3A_20 : memref<1x1023xf32, #tpu.memory_space<hbm>> -> memref<1023xf32, #tpu.memory_space<hbm>>
      %dma_wait3A_22 = arith.constant 0 : i32
      %dma_wait3A_23 = tpu.memref_slice %arg2[%shift_right_logical3A_1, %dma_wait3A_22] : memref<32x1023xf32, #tpu.memory_space<hbm>> -> memref<1x1023xf32, #tpu.memory_space<hbm>>
      %dma_wait3A_24 = tpu.memref_squeeze %dma_wait3A_23 : memref<1x1023xf32, #tpu.memory_space<hbm>> -> memref<1023xf32, #tpu.memory_space<hbm>>
      tpu.wait_dma2 semaphore(%run_scoped3A : memref<!tpu.dma_semaphore, #tpu.memory_space<semaphore_mem>>) src(%dma_wait3A_24 : memref<1023xf32, #tpu.memory_space<hbm>>) dst(%arg6 : memref<1023xf32, #tpu.memory_space<vmem>>)
      tpu.yield
    }) : () -> ()
    %iota3A = tpu.iota {dimensions = array<i32: 0>} : vector<16xi32>
    %sub3A = arith.constant 1 : i32
    %sub3A_3 = arith.subi %sub3A, %and3A_2 : i32
    %mul3A_4 = arith.constant 256 : i32
    %mul3A_5 = arith.muli %mul3A_4, %sub3A_3 : i32
    %scan3A = arith.constant 0 : i32
    %scan3A_6 = arith.constant 8 : i32
    %scan3A_7 = arith.addi %scan3A, %scan3A_6 : i32
    %scan3A_8 = arith.constant 1 : i32
    scf.for %scan3A_15 = %scan3A to %scan3A_7 step %scan3A_8  : i32 {
      %mul3A_16 = arith.constant 1 : i32
      %mul3A_17 = arith.muli %scan3A_15, %mul3A_16 : i32
      %add3A_18 = arith.constant 0 : i32
      %add3A_19 = arith.addi %add3A_18, %mul3A_17 : i32
      %parallel_loop3A = arith.constant 0 : i32
      %parallel_loop3A_20 = arith.constant 40 : i32
      %parallel_loop3A_21 = arith.constant 1 : i32
      scf.for %parallel_loop3A_64 = %parallel_loop3A to %parallel_loop3A_20 step %parallel_loop3A_21  : i32 {
        %parallel_loop3A_65 = arith.constant 16 : i32
        %parallel_loop3A_66 = arith.muli %parallel_loop3A_65, %parallel_loop3A_64 : i32
        %parallel_loop3A_67 = arith.constant 1007 : i32
        %parallel_loop3A_68 = arith.subi %parallel_loop3A_67, %parallel_loop3A_66 : i32
        %parallel_loop3A_69 = arith.constant 16 : i32
        %parallel_loop3A_70 = arith.muli %parallel_loop3A_69, %add3A_19 : i32
        %parallel_loop3A_71 = arith.subi %parallel_loop3A_68, %parallel_loop3A_70 : i32
        %parallel_loop3A_72 = arith.subi %parallel_loop3A_71, %mul3A_5 : i32
        %parallel_loop3A_73 = vector.broadcast %parallel_loop3A_72 : i32 to vector<16xi32>
        %parallel_loop3A_74 = arith.subi %parallel_loop3A_73, %iota3A : vector<16xi32>
        %parallel_loop3A_75 = arith.constant 0 : i32
        %parallel_loop3A_76 = arith.constant 1022 : i32
        %parallel_loop3A_77 = vector.broadcast %parallel_loop3A_75 : i32 to vector<16xi32>
        %parallel_loop3A_78 = arith.maxsi %parallel_loop3A_77, %parallel_loop3A_74 : vector<16xi32>
        %parallel_loop3A_79 = vector.broadcast %parallel_loop3A_76 : i32 to vector<16xi32>
        %parallel_loop3A_80 = arith.minsi %parallel_loop3A_79, %parallel_loop3A_78 : vector<16xi32>
        %parallel_loop3A_81 = tpu.vector_load_idx %arg6[%parallel_loop3A_80] : memref<1023xf32, #tpu.memory_space<vmem>>[vector<16xi32>], vector<16xf32>,
        %parallel_loop3A_82 = arith.constant 16 : i32
        %parallel_loop3A_83 = arith.muli %parallel_loop3A_64, %parallel_loop3A_82 : i32
        %parallel_loop3A_84 = arith.constant 0 : i32
        %parallel_loop3A_85 = arith.index_cast %add3A_19 : i32 to index
        %parallel_loop3A_86 = arith.index_cast %parallel_loop3A_84 : i32 to index
        %parallel_loop3A_87 = arith.index_cast %parallel_loop3A_83 : i32 to index
        %parallel_loop3A_88 = tpu.vector_load %arg7[%parallel_loop3A_85, %parallel_loop3A_86, %parallel_loop3A_87] {strides = array<i32>} : memref<8x16x640xf32, #tpu.memory_space<vmem>>, vector<16xf32>,
        tpu.vector_store %arg7[%parallel_loop3A_85, %parallel_loop3A_86, %parallel_loop3A_87], %parallel_loop3A_81 {strides = array<i32>} : memref<8x16x640xf32, #tpu.memory_space<vmem>>, vector<16xf32>,
        %parallel_loop3A_89 = arith.constant 16 : i32
        %parallel_loop3A_90 = arith.muli %parallel_loop3A_89, %parallel_loop3A_64 : i32
        %parallel_loop3A_91 = arith.constant 1008 : i32
        %parallel_loop3A_92 = arith.subi %parallel_loop3A_91, %parallel_loop3A_90 : i32
        %parallel_loop3A_93 = arith.constant 16 : i32
        %parallel_loop3A_94 = arith.muli %parallel_loop3A_93, %add3A_19 : i32
        %parallel_loop3A_95 = arith.subi %parallel_loop3A_92, %parallel_loop3A_94 : i32
        %parallel_loop3A_96 = arith.subi %parallel_loop3A_95, %mul3A_5 : i32
        %parallel_loop3A_97 = vector.broadcast %parallel_loop3A_96 : i32 to vector<16xi32>
        %parallel_loop3A_98 = arith.subi %parallel_loop3A_97, %iota3A : vector<16xi32>
        %parallel_loop3A_99 = arith.constant 0 : i32
        %parallel_loop3A_100 = arith.constant 1022 : i32
        %parallel_loop3A_101 = vector.broadcast %parallel_loop3A_99 : i32 to vector<16xi32>
        %parallel_loop3A_102 = arith.maxsi %parallel_loop3A_101, %parallel_loop3A_98 : vector<16xi32>
        %parallel_loop3A_103 = vector.broadcast %parallel_loop3A_100 : i32 to vector<16xi32>
        %parallel_loop3A_104 = arith.minsi %parallel_loop3A_103, %parallel_loop3A_102 : vector<16xi32>
        %parallel_loop3A_105 = tpu.vector_load_idx %arg6[%parallel_loop3A_104] : memref<1023xf32, #tpu.memory_space<vmem>>[vector<16xi32>], vector<16xf32>,
        %parallel_loop3A_106 = arith.constant 16 : i32
        %parallel_loop3A_107 = arith.muli %parallel_loop3A_64, %parallel_loop3A_106 : i32
        %parallel_loop3A_108 = arith.constant 1 : i32
        %parallel_loop3A_109 = arith.index_cast %add3A_19 : i32 to index
        %parallel_loop3A_110 = arith.index_cast %parallel_loop3A_108 : i32 to index
        %parallel_loop3A_111 = arith.index_cast %parallel_loop3A_107 : i32 to index
        %parallel_loop3A_112 = tpu.vector_load %arg7[%parallel_loop3A_109, %parallel_loop3A_110, %parallel_loop3A_111] {strides = array<i32>} : memref<8x16x640xf32, #tpu.memory_space<vmem>>, vector<16xf32>,
        tpu.vector_store %arg7[%parallel_loop3A_109, %parallel_loop3A_110, %parallel_loop3A_111], %parallel_loop3A_105 {strides = array<i32>} : memref<8x16x640xf32, #tpu.memory_space<vmem>>, vector<16xf32>,
        %parallel_loop3A_113 = arith.constant 16 : i32
        %parallel_loop3A_114 = arith.muli %parallel_loop3A_113, %parallel_loop3A_64 : i32
        %parallel_loop3A_115 = arith.constant 1009 : i32
        %parallel_loop3A_116 = arith.subi %parallel_loop3A_115, %parallel_loop3A_114 : i32
        %parallel_loop3A_117 = arith.constant 16 : i32
        %parallel_loop3A_118 = arith.muli %parallel_loop3A_117, %add3A_19 : i32
        %parallel_loop3A_119 = arith.subi %parallel_loop3A_116, %parallel_loop3A_118 : i32
        %parallel_loop3A_120 = arith.subi %parallel_loop3A_119, %mul3A_5 : i32
        %parallel_loop3A_121 = vector.broadcast %parallel_loop3A_120 : i32 to vector<16xi32>
        %parallel_loop3A_122 = arith.subi %parallel_loop3A_121, %iota3A : vector<16xi32>
        %parallel_loop3A_123 = arith.constant 0 : i32
        %parallel_loop3A_124 = arith.constant 1022 : i32
        %parallel_loop3A_125 = vector.broadcast %parallel_loop3A_123 : i32 to vector<16xi32>
        %parallel_loop3A_126 = arith.maxsi %parallel_loop3A_125, %parallel_loop3A_122 : vector<16xi32>
        %parallel_loop3A_127 = vector.broadcast %parallel_loop3A_124 : i32 to vector<16xi32>
        %parallel_loop3A_128 = arith.minsi %parallel_loop3A_127, %parallel_loop3A_126 : vector<16xi32>
        %parallel_loop3A_129 = tpu.vector_load_idx %arg6[%parallel_loop3A_128] : memref<1023xf32, #tpu.memory_space<vmem>>[vector<16xi32>], vector<16xf32>,
        %parallel_loop3A_130 = arith.constant 16 : i32
        %parallel_loop3A_131 = arith.muli %parallel_loop3A_64, %parallel_loop3A_130 : i32
        %parallel_loop3A_132 = arith.constant 2 : i32
        %parallel_loop3A_133 = arith.index_cast %add3A_19 : i32 to index
        %parallel_loop3A_134 = arith.index_cast %parallel_loop3A_132 : i32 to index
        %parallel_loop3A_135 = arith.index_cast %parallel_loop3A_131 : i32 to index
        %parallel_loop3A_136 = tpu.vector_load %arg7[%parallel_loop3A_133, %parallel_loop3A_134, %parallel_loop3A_135] {strides = array<i32>} : memref<8x16x640xf32, #tpu.memory_space<vmem>>, vector<16xf32>,
        tpu.vector_store %arg7[%parallel_loop3A_133, %parallel_loop3A_134, %parallel_loop3A_135], %parallel_loop3A_129 {strides = array<i32>} : memref<8x16x640xf32, #tpu.memory_space<vmem>>, vector<16xf32>,
        %parallel_loop3A_137 = arith.constant 16 : i32
        %parallel_loop3A_138 = arith.muli %parallel_loop3A_137, %parallel_loop3A_64 : i32
        %parallel_loop3A_139 = arith.constant 1010 : i32
        %parallel_loop3A_140 = arith.subi %parallel_loop3A_139, %parallel_loop3A_138 : i32
        %parallel_loop3A_141 = arith.constant 16 : i32
        %parallel_loop3A_142 = arith.muli %parallel_loop3A_141, %add3A_19 : i32
        %parallel_loop3A_143 = arith.subi %parallel_loop3A_140, %parallel_loop3A_142 : i32
        %parallel_loop3A_144 = arith.subi %parallel_loop3A_143, %mul3A_5 : i32
        %parallel_loop3A_145 = vector.broadcast %parallel_loop3A_144 : i32 to vector<16xi32>
        %parallel_loop3A_146 = arith.subi %parallel_loop3A_145, %iota3A : vector<16xi32>
        %parallel_loop3A_147 = arith.constant 0 : i32
        %parallel_loop3A_148 = arith.constant 1022 : i32
        %parallel_loop3A_149 = vector.broadcast %parallel_loop3A_147 : i32 to vector<16xi32>
        %parallel_loop3A_150 = arith.maxsi %parallel_loop3A_149, %parallel_loop3A_146 : vector<16xi32>
        %parallel_loop3A_151 = vector.broadcast %parallel_loop3A_148 : i32 to vector<16xi32>
        %parallel_loop3A_152 = arith.minsi %parallel_loop3A_151, %parallel_loop3A_150 : vector<16xi32>
        %parallel_loop3A_153 = tpu.vector_load_idx %arg6[%parallel_loop3A_152] : memref<1023xf32, #tpu.memory_space<vmem>>[vector<16xi32>], vector<16xf32>,
        %parallel_loop3A_154 = arith.constant 16 : i32
        %parallel_loop3A_155 = arith.muli %parallel_loop3A_64, %parallel_loop3A_154 : i32
        %parallel_loop3A_156 = arith.constant 3 : i32
        %parallel_loop3A_157 = arith.index_cast %add3A_19 : i32 to index
        %parallel_loop3A_158 = arith.index_cast %parallel_loop3A_156 : i32 to index
        %parallel_loop3A_159 = arith.index_cast %parallel_loop3A_155 : i32 to index
        %parallel_loop3A_160 = tpu.vector_load %arg7[%parallel_loop3A_157, %parallel_loop3A_158, %parallel_loop3A_159] {strides = array<i32>} : memref<8x16x640xf32, #tpu.memory_space<vmem>>, vector<16xf32>,
        tpu.vector_store %arg7[%parallel_loop3A_157, %parallel_loop3A_158, %parallel_loop3A_159], %parallel_loop3A_153 {strides = array<i32>} : memref<8x16x640xf32, #tpu.memory_space<vmem>>, vector<16xf32>,
        %parallel_loop3A_161 = arith.constant 16 : i32
        %parallel_loop3A_162 = arith.muli %parallel_loop3A_161, %parallel_loop3A_64 : i32
        %parallel_loop3A_163 = arith.constant 1011 : i32
        %parallel_loop3A_164 = arith.subi %parallel_loop3A_163, %parallel_loop3A_162 : i32
        %parallel_loop3A_165 = arith.constant 16 : i32
        %parallel_loop3A_166 = arith.muli %parallel_loop3A_165, %add3A_19 : i32
        %parallel_loop3A_167 = arith.subi %parallel_loop3A_164, %parallel_loop3A_166 : i32
        %parallel_loop3A_168 = arith.subi %parallel_loop3A_167, %mul3A_5 : i32
        %parallel_loop3A_169 = vector.broadcast %parallel_loop3A_168 : i32 to vector<16xi32>
        %parallel_loop3A_170 = arith.subi %parallel_loop3A_169, %iota3A : vector<16xi32>
        %parallel_loop3A_171 = arith.constant 0 : i32
        %parallel_loop3A_172 = arith.constant 1022 : i32
        %parallel_loop3A_173 = vector.broadcast %parallel_loop3A_171 : i32 to vector<16xi32>
        %parallel_loop3A_174 = arith.maxsi %parallel_loop3A_173, %parallel_loop3A_170 : vector<16xi32>
        %parallel_loop3A_175 = vector.broadcast %parallel_loop3A_172 : i32 to vector<16xi32>
        %parallel_loop3A_176 = arith.minsi %parallel_loop3A_175, %parallel_loop3A_174 : vector<16xi32>
        %parallel_loop3A_177 = tpu.vector_load_idx %arg6[%parallel_loop3A_176] : memref<1023xf32, #tpu.memory_space<vmem>>[vector<16xi32>], vector<16xf32>,
        %parallel_loop3A_178 = arith.constant 16 : i32
        %parallel_loop3A_179 = arith.muli %parallel_loop3A_64, %parallel_loop3A_178 : i32
        %parallel_loop3A_180 = arith.constant 4 : i32
        %parallel_loop3A_181 = arith.index_cast %add3A_19 : i32 to index
        %parallel_loop3A_182 = arith.index_cast %parallel_loop3A_180 : i32 to index
        %parallel_loop3A_183 = arith.index_cast %parallel_loop3A_179 : i32 to index
        %parallel_loop3A_184 = tpu.vector_load %arg7[%parallel_loop3A_181, %parallel_loop3A_182, %parallel_loop3A_183] {strides = array<i32>} : memref<8x16x640xf32, #tpu.memory_space<vmem>>, vector<16xf32>,
        tpu.vector_store %arg7[%parallel_loop3A_181, %parallel_loop3A_182, %parallel_loop3A_183], %parallel_loop3A_177 {strides = array<i32>} : memref<8x16x640xf32, #tpu.memory_space<vmem>>, vector<16xf32>,
        %parallel_loop3A_185 = arith.constant 16 : i32
        %parallel_loop3A_186 = arith.muli %parallel_loop3A_185, %parallel_loop3A_64 : i32
        %parallel_loop3A_187 = arith.constant 1012 : i32
        %parallel_loop3A_188 = arith.subi %parallel_loop3A_187, %parallel_loop3A_186 : i32
        %parallel_loop3A_189 = arith.constant 16 : i32
        %parallel_loop3A_190 = arith.muli %parallel_loop3A_189, %add3A_19 : i32
        %parallel_loop3A_191 = arith.subi %parallel_loop3A_188, %parallel_loop3A_190 : i32
        %parallel_loop3A_192 = arith.subi %parallel_loop3A_191, %mul3A_5 : i32
        %parallel_loop3A_193 = vector.broadcast %parallel_loop3A_192 : i32 to vector<16xi32>
        %parallel_loop3A_194 = arith.subi %parallel_loop3A_193, %iota3A : vector<16xi32>
        %parallel_loop3A_195 = arith.constant 0 : i32
        %parallel_loop3A_196 = arith.constant 1022 : i32
        %parallel_loop3A_197 = vector.broadcast %parallel_loop3A_195 : i32 to vector<16xi32>
        %parallel_loop3A_198 = arith.maxsi %parallel_loop3A_197, %parallel_loop3A_194 : vector<16xi32>
        %parallel_loop3A_199 = vector.broadcast %parallel_loop3A_196 : i32 to vector<16xi32>
        %parallel_loop3A_200 = arith.minsi %parallel_loop3A_199, %parallel_loop3A_198 : vector<16xi32>
        %parallel_loop3A_201 = tpu.vector_load_idx %arg6[%parallel_loop3A_200] : memref<1023xf32, #tpu.memory_space<vmem>>[vector<16xi32>], vector<16xf32>,
        %parallel_loop3A_202 = arith.constant 16 : i32
        %parallel_loop3A_203 = arith.muli %parallel_loop3A_64, %parallel_loop3A_202 : i32
        %parallel_loop3A_204 = arith.constant 5 : i32
        %parallel_loop3A_205 = arith.index_cast %add3A_19 : i32 to index
        %parallel_loop3A_206 = arith.index_cast %parallel_loop3A_204 : i32 to index
        %parallel_loop3A_207 = arith.index_cast %parallel_loop3A_203 : i32 to index
        %parallel_loop3A_208 = tpu.vector_load %arg7[%parallel_loop3A_205, %parallel_loop3A_206, %parallel_loop3A_207] {strides = array<i32>} : memref<8x16x640xf32, #tpu.memory_space<vmem>>, vector<16xf32>,
        tpu.vector_store %arg7[%parallel_loop3A_205, %parallel_loop3A_206, %parallel_loop3A_207], %parallel_loop3A_201 {strides = array<i32>} : memref<8x16x640xf32, #tpu.memory_space<vmem>>, vector<16xf32>,
        %parallel_loop3A_209 = arith.constant 16 : i32
        %parallel_loop3A_210 = arith.muli %parallel_loop3A_209, %parallel_loop3A_64 : i32
        %parallel_loop3A_211 = arith.constant 1013 : i32
        %parallel_loop3A_212 = arith.subi %parallel_loop3A_211, %parallel_loop3A_210 : i32
        %parallel_loop3A_213 = arith.constant 16 : i32
        %parallel_loop3A_214 = arith.muli %parallel_loop3A_213, %add3A_19 : i32
        %parallel_loop3A_215 = arith.subi %parallel_loop3A_212, %parallel_loop3A_214 : i32
        %parallel_loop3A_216 = arith.subi %parallel_loop3A_215, %mul3A_5 : i32
        %parallel_loop3A_217 = vector.broadcast %parallel_loop3A_216 : i32 to vector<16xi32>
        %parallel_loop3A_218 = arith.subi %parallel_loop3A_217, %iota3A : vector<16xi32>
        %parallel_loop3A_219 = arith.constant 0 : i32
        %parallel_loop3A_220 = arith.constant 1022 : i32
        %parallel_loop3A_221 = vector.broadcast %parallel_loop3A_219 : i32 to vector<16xi32>
        %parallel_loop3A_222 = arith.maxsi %parallel_loop3A_221, %parallel_loop3A_218 : vector<16xi32>
        %parallel_loop3A_223 = vector.broadcast %parallel_loop3A_220 : i32 to vector<16xi32>
        %parallel_loop3A_224 = arith.minsi %parallel_loop3A_223, %parallel_loop3A_222 : vector<16xi32>
        %parallel_loop3A_225 = tpu.vector_load_idx %arg6[%parallel_loop3A_224] : memref<1023xf32, #tpu.memory_space<vmem>>[vector<16xi32>], vector<16xf32>,
        %parallel_loop3A_226 = arith.constant 16 : i32
        %parallel_loop3A_227 = arith.muli %parallel_loop3A_64, %parallel_loop3A_226 : i32
        %parallel_loop3A_228 = arith.constant 6 : i32
        %parallel_loop3A_229 = arith.index_cast %add3A_19 : i32 to index
        %parallel_loop3A_230 = arith.index_cast %parallel_loop3A_228 : i32 to index
        %parallel_loop3A_231 = arith.index_cast %parallel_loop3A_227 : i32 to index
        %parallel_loop3A_232 = tpu.vector_load %arg7[%parallel_loop3A_229, %parallel_loop3A_230, %parallel_loop3A_231] {strides = array<i32>} : memref<8x16x640xf32, #tpu.memory_space<vmem>>, vector<16xf32>,
        tpu.vector_store %arg7[%parallel_loop3A_229, %parallel_loop3A_230, %parallel_loop3A_231], %parallel_loop3A_225 {strides = array<i32>} : memref<8x16x640xf32, #tpu.memory_space<vmem>>, vector<16xf32>,
        %parallel_loop3A_233 = arith.constant 16 : i32
        %parallel_loop3A_234 = arith.muli %parallel_loop3A_233, %parallel_loop3A_64 : i32
        %parallel_loop3A_235 = arith.constant 1014 : i32
        %parallel_loop3A_236 = arith.subi %parallel_loop3A_235, %parallel_loop3A_234 : i32
        %parallel_loop3A_237 = arith.constant 16 : i32
        %parallel_loop3A_238 = arith.muli %parallel_loop3A_237, %add3A_19 : i32
        %parallel_loop3A_239 = arith.subi %parallel_loop3A_236, %parallel_loop3A_238 : i32
        %parallel_loop3A_240 = arith.subi %parallel_loop3A_239, %mul3A_5 : i32
        %parallel_loop3A_241 = vector.broadcast %parallel_loop3A_240 : i32 to vector<16xi32>
        %parallel_loop3A_242 = arith.subi %parallel_loop3A_241, %iota3A : vector<16xi32>
        %parallel_loop3A_243 = arith.constant 0 : i32
        %parallel_loop3A_244 = arith.constant 1022 : i32
        %parallel_loop3A_245 = vector.broadcast %parallel_loop3A_243 : i32 to vector<16xi32>
        %parallel_loop3A_246 = arith.maxsi %parallel_loop3A_245, %parallel_loop3A_242 : vector<16xi32>
        %parallel_loop3A_247 = vector.broadcast %parallel_loop3A_244 : i32 to vector<16xi32>
        %parallel_loop3A_248 = arith.minsi %parallel_loop3A_247, %parallel_loop3A_246 : vector<16xi32>
        %parallel_loop3A_249 = tpu.vector_load_idx %arg6[%parallel_loop3A_248] : memref<1023xf32, #tpu.memory_space<vmem>>[vector<16xi32>], vector<16xf32>,
        %parallel_loop3A_250 = arith.constant 16 : i32
        %parallel_loop3A_251 = arith.muli %parallel_loop3A_64, %parallel_loop3A_250 : i32
        %parallel_loop3A_252 = arith.constant 7 : i32
        %parallel_loop3A_253 = arith.index_cast %add3A_19 : i32 to index
        %parallel_loop3A_254 = arith.index_cast %parallel_loop3A_252 : i32 to index
        %parallel_loop3A_255 = arith.index_cast %parallel_loop3A_251 : i32 to index
        %parallel_loop3A_256 = tpu.vector_load %arg7[%parallel_loop3A_253, %parallel_loop3A_254, %parallel_loop3A_255] {strides = array<i32>} : memref<8x16x640xf32, #tpu.memory_space<vmem>>, vector<16xf32>,
        tpu.vector_store %arg7[%parallel_loop3A_253, %parallel_loop3A_254, %parallel_loop3A_255], %parallel_loop3A_249 {strides = array<i32>} : memref<8x16x640xf32, #tpu.memory_space<vmem>>, vector<16xf32>,
        %parallel_loop3A_257 = arith.constant 16 : i32
        %parallel_loop3A_258 = arith.muli %parallel_loop3A_257, %parallel_loop3A_64 : i32
        %parallel_loop3A_259 = arith.constant 1015 : i32
        %parallel_loop3A_260 = arith.subi %parallel_loop3A_259, %parallel_loop3A_258 : i32
        %parallel_loop3A_261 = arith.constant 16 : i32
        %parallel_loop3A_262 = arith.muli %parallel_loop3A_261, %add3A_19 : i32
        %parallel_loop3A_263 = arith.subi %parallel_loop3A_260, %parallel_loop3A_262 : i32
        %parallel_loop3A_264 = arith.subi %parallel_loop3A_263, %mul3A_5 : i32
        %parallel_loop3A_265 = vector.broadcast %parallel_loop3A_264 : i32 to vector<16xi32>
        %parallel_loop3A_266 = arith.subi %parallel_loop3A_265, %iota3A : vector<16xi32>
        %parallel_loop3A_267 = arith.constant 0 : i32
        %parallel_loop3A_268 = arith.constant 1022 : i32
        %parallel_loop3A_269 = vector.broadcast %parallel_loop3A_267 : i32 to vector<16xi32>
        %parallel_loop3A_270 = arith.maxsi %parallel_loop3A_269, %parallel_loop3A_266 : vector<16xi32>
        %parallel_loop3A_271 = vector.broadcast %parallel_loop3A_268 : i32 to vector<16xi32>
        %parallel_loop3A_272 = arith.minsi %parallel_loop3A_271, %parallel_loop3A_270 : vector<16xi32>
        %parallel_loop3A_273 = tpu.vector_load_idx %arg6[%parallel_loop3A_272] : memref<1023xf32, #tpu.memory_space<vmem>>[vector<16xi32>], vector<16xf32>,
        %parallel_loop3A_274 = arith.constant 16 : i32
        %parallel_loop3A_275 = arith.muli %parallel_loop3A_64, %parallel_loop3A_274 : i32
        %parallel_loop3A_276 = arith.constant 8 : i32
        %parallel_loop3A_277 = arith.index_cast %add3A_19 : i32 to index
        %parallel_loop3A_278 = arith.index_cast %parallel_loop3A_276 : i32 to index
        %parallel_loop3A_279 = arith.index_cast %parallel_loop3A_275 : i32 to index
        %parallel_loop3A_280 = tpu.vector_load %arg7[%parallel_loop3A_277, %parallel_loop3A_278, %parallel_loop3A_279] {strides = array<i32>} : memref<8x16x640xf32, #tpu.memory_space<vmem>>, vector<16xf32>,
        tpu.vector_store %arg7[%parallel_loop3A_277, %parallel_loop3A_278, %parallel_loop3A_279], %parallel_loop3A_273 {strides = array<i32>} : memref<8x16x640xf32, #tpu.memory_space<vmem>>, vector<16xf32>,
        %parallel_loop3A_281 = arith.constant 16 : i32
        %parallel_loop3A_282 = arith.muli %parallel_loop3A_281, %parallel_loop3A_64 : i32
        %parallel_loop3A_283 = arith.constant 1016 : i32
        %parallel_loop3A_284 = arith.subi %parallel_loop3A_283, %parallel_loop3A_282 : i32
        %parallel_loop3A_285 = arith.constant 16 : i32
        %parallel_loop3A_286 = arith.muli %parallel_loop3A_285, %add3A_19 : i32
        %parallel_loop3A_287 = arith.subi %parallel_loop3A_284, %parallel_loop3A_286 : i32
        %parallel_loop3A_288 = arith.subi %parallel_loop3A_287, %mul3A_5 : i32
        %parallel_loop3A_289 = vector.broadcast %parallel_loop3A_288 : i32 to vector<16xi32>
        %parallel_loop3A_290 = arith.subi %parallel_loop3A_289, %iota3A : vector<16xi32>
        %parallel_loop3A_291 = arith.constant 0 : i32
        %parallel_loop3A_292 = arith.constant 1022 : i32
        %parallel_loop3A_293 = vector.broadcast %parallel_loop3A_291 : i32 to vector<16xi32>
        %parallel_loop3A_294 = arith.maxsi %parallel_loop3A_293, %parallel_loop3A_290 : vector<16xi32>
        %parallel_loop3A_295 = vector.broadcast %parallel_loop3A_292 : i32 to vector<16xi32>
        %parallel_loop3A_296 = arith.minsi %parallel_loop3A_295, %parallel_loop3A_294 : vector<16xi32>
        %parallel_loop3A_297 = tpu.vector_load_idx %arg6[%parallel_loop3A_296] : memref<1023xf32, #tpu.memory_space<vmem>>[vector<16xi32>], vector<16xf32>,
        %parallel_loop3A_298 = arith.constant 16 : i32
        %parallel_loop3A_299 = arith.muli %parallel_loop3A_64, %parallel_loop3A_298 : i32
        %parallel_loop3A_300 = arith.constant 9 : i32
        %parallel_loop3A_301 = arith.index_cast %add3A_19 : i32 to index
        %parallel_loop3A_302 = arith.index_cast %parallel_loop3A_300 : i32 to index
        %parallel_loop3A_303 = arith.index_cast %parallel_loop3A_299 : i32 to index
        %parallel_loop3A_304 = tpu.vector_load %arg7[%parallel_loop3A_301, %parallel_loop3A_302, %parallel_loop3A_303] {strides = array<i32>} : memref<8x16x640xf32, #tpu.memory_space<vmem>>, vector<16xf32>,
        tpu.vector_store %arg7[%parallel_loop3A_301, %parallel_loop3A_302, %parallel_loop3A_303], %parallel_loop3A_297 {strides = array<i32>} : memref<8x16x640xf32, #tpu.memory_space<vmem>>, vector<16xf32>,
        %parallel_loop3A_305 = arith.constant 16 : i32
        %parallel_loop3A_306 = arith.muli %parallel_loop3A_305, %parallel_loop3A_64 : i32
        %parallel_loop3A_307 = arith.constant 1017 : i32
        %parallel_loop3A_308 = arith.subi %parallel_loop3A_307, %parallel_loop3A_306 : i32
        %parallel_loop3A_309 = arith.constant 16 : i32
        %parallel_loop3A_310 = arith.muli %parallel_loop3A_309, %add3A_19 : i32
        %parallel_loop3A_311 = arith.subi %parallel_loop3A_308, %parallel_loop3A_310 : i32
        %parallel_loop3A_312 = arith.subi %parallel_loop3A_311, %mul3A_5 : i32
        %parallel_loop3A_313 = vector.broadcast %parallel_loop3A_312 : i32 to vector<16xi32>
        %parallel_loop3A_314 = arith.subi %parallel_loop3A_313, %iota3A : vector<16xi32>
        %parallel_loop3A_315 = arith.constant 0 : i32
        %parallel_loop3A_316 = arith.constant 1022 : i32
        %parallel_loop3A_317 = vector.broadcast %parallel_loop3A_315 : i32 to vector<16xi32>
        %parallel_loop3A_318 = arith.maxsi %parallel_loop3A_317, %parallel_loop3A_314 : vector<16xi32>
        %parallel_loop3A_319 = vector.broadcast %parallel_loop3A_316 : i32 to vector<16xi32>
        %parallel_loop3A_320 = arith.minsi %parallel_loop3A_319, %parallel_loop3A_318 : vector<16xi32>
        %parallel_loop3A_321 = tpu.vector_load_idx %arg6[%parallel_loop3A_320] : memref<1023xf32, #tpu.memory_space<vmem>>[vector<16xi32>], vector<16xf32>,
        %parallel_loop3A_322 = arith.constant 16 : i32
        %parallel_loop3A_323 = arith.muli %parallel_loop3A_64, %parallel_loop3A_322 : i32
        %parallel_loop3A_324 = arith.constant 10 : i32
        %parallel_loop3A_325 = arith.index_cast %add3A_19 : i32 to index
        %parallel_loop3A_326 = arith.index_cast %parallel_loop3A_324 : i32 to index
        %parallel_loop3A_327 = arith.index_cast %parallel_loop3A_323 : i32 to index
        %parallel_loop3A_328 = tpu.vector_load %arg7[%parallel_loop3A_325, %parallel_loop3A_326, %parallel_loop3A_327] {strides = array<i32>} : memref<8x16x640xf32, #tpu.memory_space<vmem>>, vector<16xf32>,
        tpu.vector_store %arg7[%parallel_loop3A_325, %parallel_loop3A_326, %parallel_loop3A_327], %parallel_loop3A_321 {strides = array<i32>} : memref<8x16x640xf32, #tpu.memory_space<vmem>>, vector<16xf32>,
        %parallel_loop3A_329 = arith.constant 16 : i32
        %parallel_loop3A_330 = arith.muli %parallel_loop3A_329, %parallel_loop3A_64 : i32
        %parallel_loop3A_331 = arith.constant 1018 : i32
        %parallel_loop3A_332 = arith.subi %parallel_loop3A_331, %parallel_loop3A_330 : i32
        %parallel_loop3A_333 = arith.constant 16 : i32
        %parallel_loop3A_334 = arith.muli %parallel_loop3A_333, %add3A_19 : i32
        %parallel_loop3A_335 = arith.subi %parallel_loop3A_332, %parallel_loop3A_334 : i32
        %parallel_loop3A_336 = arith.subi %parallel_loop3A_335, %mul3A_5 : i32
        %parallel_loop3A_337 = vector.broadcast %parallel_loop3A_336 : i32 to vector<16xi32>
        %parallel_loop3A_338 = arith.subi %parallel_loop3A_337, %iota3A : vector<16xi32>
        %parallel_loop3A_339 = arith.constant 0 : i32
        %parallel_loop3A_340 = arith.constant 1022 : i32
        %parallel_loop3A_341 = vector.broadcast %parallel_loop3A_339 : i32 to vector<16xi32>
        %parallel_loop3A_342 = arith.maxsi %parallel_loop3A_341, %parallel_loop3A_338 : vector<16xi32>
        %parallel_loop3A_343 = vector.broadcast %parallel_loop3A_340 : i32 to vector<16xi32>
        %parallel_loop3A_344 = arith.minsi %parallel_loop3A_343, %parallel_loop3A_342 : vector<16xi32>
        %parallel_loop3A_345 = tpu.vector_load_idx %arg6[%parallel_loop3A_344] : memref<1023xf32, #tpu.memory_space<vmem>>[vector<16xi32>], vector<16xf32>,
        %parallel_loop3A_346 = arith.constant 16 : i32
        %parallel_loop3A_347 = arith.muli %parallel_loop3A_64, %parallel_loop3A_346 : i32
        %parallel_loop3A_348 = arith.constant 11 : i32
        %parallel_loop3A_349 = arith.index_cast %add3A_19 : i32 to index
        %parallel_loop3A_350 = arith.index_cast %parallel_loop3A_348 : i32 to index
        %parallel_loop3A_351 = arith.index_cast %parallel_loop3A_347 : i32 to index
        %parallel_loop3A_352 = tpu.vector_load %arg7[%parallel_loop3A_349, %parallel_loop3A_350, %parallel_loop3A_351] {strides = array<i32>} : memref<8x16x640xf32, #tpu.memory_space<vmem>>, vector<16xf32>,
        tpu.vector_store %arg7[%parallel_loop3A_349, %parallel_loop3A_350, %parallel_loop3A_351], %parallel_loop3A_345 {strides = array<i32>} : memref<8x16x640xf32, #tpu.memory_space<vmem>>, vector<16xf32>,
        %parallel_loop3A_353 = arith.constant 16 : i32
        %parallel_loop3A_354 = arith.muli %parallel_loop3A_353, %parallel_loop3A_64 : i32
        %parallel_loop3A_355 = arith.constant 1019 : i32
        %parallel_loop3A_356 = arith.subi %parallel_loop3A_355, %parallel_loop3A_354 : i32
        %parallel_loop3A_357 = arith.constant 16 : i32
        %parallel_loop3A_358 = arith.muli %parallel_loop3A_357, %add3A_19 : i32
        %parallel_loop3A_359 = arith.subi %parallel_loop3A_356, %parallel_loop3A_358 : i32
        %parallel_loop3A_360 = arith.subi %parallel_loop3A_359, %mul3A_5 : i32
        %parallel_loop3A_361 = vector.broadcast %parallel_loop3A_360 : i32 to vector<16xi32>
        %parallel_loop3A_362 = arith.subi %parallel_loop3A_361, %iota3A : vector<16xi32>
        %parallel_loop3A_363 = arith.constant 0 : i32
        %parallel_loop3A_364 = arith.constant 1022 : i32
        %parallel_loop3A_365 = vector.broadcast %parallel_loop3A_363 : i32 to vector<16xi32>
        %parallel_loop3A_366 = arith.maxsi %parallel_loop3A_365, %parallel_loop3A_362 : vector<16xi32>
        %parallel_loop3A_367 = vector.broadcast %parallel_loop3A_364 : i32 to vector<16xi32>
        %parallel_loop3A_368 = arith.minsi %parallel_loop3A_367, %parallel_loop3A_366 : vector<16xi32>
        %parallel_loop3A_369 = tpu.vector_load_idx %arg6[%parallel_loop3A_368] : memref<1023xf32, #tpu.memory_space<vmem>>[vector<16xi32>], vector<16xf32>,
        %parallel_loop3A_370 = arith.constant 16 : i32
        %parallel_loop3A_371 = arith.muli %parallel_loop3A_64, %parallel_loop3A_370 : i32
        %parallel_loop3A_372 = arith.constant 12 : i32
        %parallel_loop3A_373 = arith.index_cast %add3A_19 : i32 to index
        %parallel_loop3A_374 = arith.index_cast %parallel_loop3A_372 : i32 to index
        %parallel_loop3A_375 = arith.index_cast %parallel_loop3A_371 : i32 to index
        %parallel_loop3A_376 = tpu.vector_load %arg7[%parallel_loop3A_373, %parallel_loop3A_374, %parallel_loop3A_375] {strides = array<i32>} : memref<8x16x640xf32, #tpu.memory_space<vmem>>, vector<16xf32>,
        tpu.vector_store %arg7[%parallel_loop3A_373, %parallel_loop3A_374, %parallel_loop3A_375], %parallel_loop3A_369 {strides = array<i32>} : memref<8x16x640xf32, #tpu.memory_space<vmem>>, vector<16xf32>,
        %parallel_loop3A_377 = arith.constant 16 : i32
        %parallel_loop3A_378 = arith.muli %parallel_loop3A_377, %parallel_loop3A_64 : i32
        %parallel_loop3A_379 = arith.constant 1020 : i32
        %parallel_loop3A_380 = arith.subi %parallel_loop3A_379, %parallel_loop3A_378 : i32
        %parallel_loop3A_381 = arith.constant 16 : i32
        %parallel_loop3A_382 = arith.muli %parallel_loop3A_381, %add3A_19 : i32
        %parallel_loop3A_383 = arith.subi %parallel_loop3A_380, %parallel_loop3A_382 : i32
        %parallel_loop3A_384 = arith.subi %parallel_loop3A_383, %mul3A_5 : i32
        %parallel_loop3A_385 = vector.broadcast %parallel_loop3A_384 : i32 to vector<16xi32>
        %parallel_loop3A_386 = arith.subi %parallel_loop3A_385, %iota3A : vector<16xi32>
        %parallel_loop3A_387 = arith.constant 0 : i32
        %parallel_loop3A_388 = arith.constant 1022 : i32
        %parallel_loop3A_389 = vector.broadcast %parallel_loop3A_387 : i32 to vector<16xi32>
        %parallel_loop3A_390 = arith.maxsi %parallel_loop3A_389, %parallel_loop3A_386 : vector<16xi32>
        %parallel_loop3A_391 = vector.broadcast %parallel_loop3A_388 : i32 to vector<16xi32>
        %parallel_loop3A_392 = arith.minsi %parallel_loop3A_391, %parallel_loop3A_390 : vector<16xi32>
        %parallel_loop3A_393 = tpu.vector_load_idx %arg6[%parallel_loop3A_392] : memref<1023xf32, #tpu.memory_space<vmem>>[vector<16xi32>], vector<16xf32>,
        %parallel_loop3A_394 = arith.constant 16 : i32
        %parallel_loop3A_395 = arith.muli %parallel_loop3A_64, %parallel_loop3A_394 : i32
        %parallel_loop3A_396 = arith.constant 13 : i32
        %parallel_loop3A_397 = arith.index_cast %add3A_19 : i32 to index
        %parallel_loop3A_398 = arith.index_cast %parallel_loop3A_396 : i32 to index
        %parallel_loop3A_399 = arith.index_cast %parallel_loop3A_395 : i32 to index
        %parallel_loop3A_400 = tpu.vector_load %arg7[%parallel_loop3A_397, %parallel_loop3A_398, %parallel_loop3A_399] {strides = array<i32>} : memref<8x16x640xf32, #tpu.memory_space<vmem>>, vector<16xf32>,
        tpu.vector_store %arg7[%parallel_loop3A_397, %parallel_loop3A_398, %parallel_loop3A_399], %parallel_loop3A_393 {strides = array<i32>} : memref<8x16x640xf32, #tpu.memory_space<vmem>>, vector<16xf32>,
        %parallel_loop3A_401 = arith.constant 16 : i32
        %parallel_loop3A_402 = arith.muli %parallel_loop3A_401, %parallel_loop3A_64 : i32
        %parallel_loop3A_403 = arith.constant 1021 : i32
        %parallel_loop3A_404 = arith.subi %parallel_loop3A_403, %parallel_loop3A_402 : i32
        %parallel_loop3A_405 = arith.constant 16 : i32
        %parallel_loop3A_406 = arith.muli %parallel_loop3A_405, %add3A_19 : i32
        %parallel_loop3A_407 = arith.subi %parallel_loop3A_404, %parallel_loop3A_406 : i32
        %parallel_loop3A_408 = arith.subi %parallel_loop3A_407, %mul3A_5 : i32
        %parallel_loop3A_409 = vector.broadcast %parallel_loop3A_408 : i32 to vector<16xi32>
        %parallel_loop3A_410 = arith.subi %parallel_loop3A_409, %iota3A : vector<16xi32>
        %parallel_loop3A_411 = arith.constant 0 : i32
        %parallel_loop3A_412 = arith.constant 1022 : i32
        %parallel_loop3A_413 = vector.broadcast %parallel_loop3A_411 : i32 to vector<16xi32>
        %parallel_loop3A_414 = arith.maxsi %parallel_loop3A_413, %parallel_loop3A_410 : vector<16xi32>
        %parallel_loop3A_415 = vector.broadcast %parallel_loop3A_412 : i32 to vector<16xi32>
        %parallel_loop3A_416 = arith.minsi %parallel_loop3A_415, %parallel_loop3A_414 : vector<16xi32>
        %parallel_loop3A_417 = tpu.vector_load_idx %arg6[%parallel_loop3A_416] : memref<1023xf32, #tpu.memory_space<vmem>>[vector<16xi32>], vector<16xf32>,
        %parallel_loop3A_418 = arith.constant 16 : i32
        %parallel_loop3A_419 = arith.muli %parallel_loop3A_64, %parallel_loop3A_418 : i32
        %parallel_loop3A_420 = arith.constant 14 : i32
        %parallel_loop3A_421 = arith.index_cast %add3A_19 : i32 to index
        %parallel_loop3A_422 = arith.index_cast %parallel_loop3A_420 : i32 to index
        %parallel_loop3A_423 = arith.index_cast %parallel_loop3A_419 : i32 to index
        %parallel_loop3A_424 = tpu.vector_load %arg7[%parallel_loop3A_421, %parallel_loop3A_422, %parallel_loop3A_423] {strides = array<i32>} : memref<8x16x640xf32, #tpu.memory_space<vmem>>, vector<16xf32>,
        tpu.vector_store %arg7[%parallel_loop3A_421, %parallel_loop3A_422, %parallel_loop3A_423], %parallel_loop3A_417 {strides = array<i32>} : memref<8x16x640xf32, #tpu.memory_space<vmem>>, vector<16xf32>,
        %parallel_loop3A_425 = arith.constant 16 : i32
        %parallel_loop3A_426 = arith.muli %parallel_loop3A_425, %parallel_loop3A_64 : i32
        %parallel_loop3A_427 = arith.constant 1022 : i32
        %parallel_loop3A_428 = arith.subi %parallel_loop3A_427, %parallel_loop3A_426 : i32
        %parallel_loop3A_429 = arith.constant 16 : i32
        %parallel_loop3A_430 = arith.muli %parallel_loop3A_429, %add3A_19 : i32
        %parallel_loop3A_431 = arith.subi %parallel_loop3A_428, %parallel_loop3A_430 : i32
        %parallel_loop3A_432 = arith.subi %parallel_loop3A_431, %mul3A_5 : i32
        %parallel_loop3A_433 = vector.broadcast %parallel_loop3A_432 : i32 to vector<16xi32>
        %parallel_loop3A_434 = arith.subi %parallel_loop3A_433, %iota3A : vector<16xi32>
        %parallel_loop3A_435 = arith.constant 0 : i32
        %parallel_loop3A_436 = arith.constant 1022 : i32
        %parallel_loop3A_437 = vector.broadcast %parallel_loop3A_435 : i32 to vector<16xi32>
        %parallel_loop3A_438 = arith.maxsi %parallel_loop3A_437, %parallel_loop3A_434 : vector<16xi32>
        %parallel_loop3A_439 = vector.broadcast %parallel_loop3A_436 : i32 to vector<16xi32>
        %parallel_loop3A_440 = arith.minsi %parallel_loop3A_439, %parallel_loop3A_438 : vector<16xi32>
        %parallel_loop3A_441 = tpu.vector_load_idx %arg6[%parallel_loop3A_440] : memref<1023xf32, #tpu.memory_space<vmem>>[vector<16xi32>], vector<16xf32>,
        %parallel_loop3A_442 = arith.constant 16 : i32
        %parallel_loop3A_443 = arith.muli %parallel_loop3A_64, %parallel_loop3A_442 : i32
        %parallel_loop3A_444 = arith.constant 15 : i32
        %parallel_loop3A_445 = arith.index_cast %add3A_19 : i32 to index
        %parallel_loop3A_446 = arith.index_cast %parallel_loop3A_444 : i32 to index
        %parallel_loop3A_447 = arith.index_cast %parallel_loop3A_443 : i32 to index
        %parallel_loop3A_448 = tpu.vector_load %arg7[%parallel_loop3A_445, %parallel_loop3A_446, %parallel_loop3A_447] {strides = array<i32>} : memref<8x16x640xf32, #tpu.memory_space<vmem>>, vector<16xf32>,
        tpu.vector_store %arg7[%parallel_loop3A_445, %parallel_loop3A_446, %parallel_loop3A_447], %parallel_loop3A_441 {strides = array<i32>} : memref<8x16x640xf32, #tpu.memory_space<vmem>>, vector<16xf32>,
      } {sc.loop_unroll_factor = 2 : i64, sc.parallel_access}
      %sub3A_22 = arith.constant 31 : i32
      %sub3A_23 = arith.subi %sub3A_22, %add3A_19 : i32
      %sub3A_24 = arith.constant 1 : i32
      %sub3A_25 = arith.subi %sub3A_24, %and3A_2 : i32
      %mul3A_26 = arith.constant 2 : i32
      %mul3A_27 = arith.muli %mul3A_26, %sub3A_25 : i32
      %add3A_28 = arith.constant 0 : i32
      %add3A_29 = arith.addi %mul3A_27, %add3A_28 : i32
      %mul3A_30 = arith.constant 8 : i32
      %mul3A_31 = arith.muli %mul3A_30, %add3A_29 : i32
      %sub3A_32 = arith.subi %sub3A_23, %mul3A_31 : i32
      %mul3A_33 = arith.constant 16 : i32
      %mul3A_34 = arith.muli %mul3A_33, %sub3A_32 : i32
      %lt3A = arith.constant 8 : i32
      %lt3A_35 = arith.cmpi slt, %shift_right_logical3A_1, %lt3A : i32
      %convert_element_type3A = arith.extui %lt3A_35 : i1 to i32
      %cond3A = arith.constant 0 : i32
      %cond3A_36 = arith.cmpi ne, %convert_element_type3A, %cond3A : i32
      scf.if %cond3A_36 {
        %dma_start3A = arith.constant 0 : i32
        %dma_start3A_64 = arith.constant 0 : i32
        %dma_start3A_65 = tpu.memref_slice %arg7[%add3A_19, %dma_start3A, %dma_start3A_64] : memref<8x16x640xf32, #tpu.memory_space<vmem>> -> memref<1x16x512xf32, #tpu.memory_space<vmem>>
        %dma_start3A_66 = tpu.memref_squeeze %dma_start3A_65 : memref<1x16x512xf32, #tpu.memory_space<vmem>> -> memref<16x512xf32, #tpu.memory_space<vmem>>
        %dma_start3A_67 = arith.constant 0 : i32
        %dma_start3A_68 = tpu.memref_slice %arg4[%shift_right_logical3A_1, %mul3A_34, %dma_start3A_67] : memref<8x512x512xf32, #tpu.memory_space<hbm>> -> memref<1x16x512xf32, #tpu.memory_space<hbm>>
        %dma_start3A_69 = tpu.memref_squeeze %dma_start3A_68 : memref<1x16x512xf32, #tpu.memory_space<hbm>> -> memref<16x512xf32, #tpu.memory_space<hbm>>
        %dma_start3A_70 = arith.constant 0 : i32
        %dma_start3A_71 = tpu.memref_slice %arg4[%shift_right_logical3A_1, %mul3A_34, %dma_start3A_70] : memref<8x512x512xf32, #tpu.memory_space<hbm>> -> memref<1x16x512xf32, #tpu.memory_space<hbm>>
        %dma_start3A_72 = tpu.memref_squeeze %dma_start3A_71 : memref<1x16x512xf32, #tpu.memory_space<hbm>> -> memref<16x512xf32, #tpu.memory_space<hbm>>
        %dma_start3A_73 = arith.constant 0 : i32
        %dma_start3A_74 = arith.constant 0 : i32
        %dma_start3A_75 = tpu.memref_slice %arg7[%add3A_19, %dma_start3A_73, %dma_start3A_74] : memref<8x16x640xf32, #tpu.memory_space<vmem>> -> memref<1x16x512xf32, #tpu.memory_space<vmem>>
        %dma_start3A_76 = tpu.memref_squeeze %dma_start3A_75 : memref<1x16x512xf32, #tpu.memory_space<vmem>> -> memref<16x512xf32, #tpu.memory_space<vmem>>
        tpu.enqueue_dma source(%dma_start3A_76 : memref<16x512xf32, #tpu.memory_space<vmem>>) target(%dma_start3A_72 : memref<16x512xf32, #tpu.memory_space<hbm>>) target_semaphore(%arg8 : memref<!tpu.dma_semaphore, #tpu.memory_space<semaphore_mem>>)
      } else {
      }
      %ge3A = arith.constant 8 : i32
      %ge3A_37 = arith.cmpi sge, %shift_right_logical3A_1, %ge3A : i32
      %convert_element_type3A_38 = arith.extui %ge3A_37 : i1 to i32
      %cond3A_39 = arith.constant 0 : i32
      %cond3A_40 = arith.cmpi ne, %convert_element_type3A_38, %cond3A_39 : i32
      scf.if %cond3A_40 {
        %sub3A_64 = arith.constant 8 : i32
        %sub3A_65 = arith.subi %shift_right_logical3A_1, %sub3A_64 : i32
        %dma_start3A = arith.constant 0 : i32
        %dma_start3A_66 = arith.constant 0 : i32
        %dma_start3A_67 = tpu.memref_slice %arg7[%add3A_19, %dma_start3A, %dma_start3A_66] : memref<8x16x640xf32, #tpu.memory_space<vmem>> -> memref<1x16x512xf32, #tpu.memory_space<vmem>>
        %dma_start3A_68 = tpu.memref_squeeze %dma_start3A_67 : memref<1x16x512xf32, #tpu.memory_space<vmem>> -> memref<16x512xf32, #tpu.memory_space<vmem>>
        %dma_start3A_69 = arith.constant 0 : i32
        %dma_start3A_70 = tpu.memref_slice %arg5[%sub3A_65, %mul3A_34, %dma_start3A_69] : memref<8x512x512xf32, #tpu.memory_space<hbm>> -> memref<1x16x512xf32, #tpu.memory_space<hbm>>
        %dma_start3A_71 = tpu.memref_squeeze %dma_start3A_70 : memref<1x16x512xf32, #tpu.memory_space<hbm>> -> memref<16x512xf32, #tpu.memory_space<hbm>>
        %dma_start3A_72 = arith.constant 0 : i32
        %dma_start3A_73 = tpu.memref_slice %arg5[%sub3A_65, %mul3A_34, %dma_start3A_72] : memref<8x512x512xf32, #tpu.memory_space<hbm>> -> memref<1x16x512xf32, #tpu.memory_space<hbm>>
        %dma_start3A_74 = tpu.memref_squeeze %dma_start3A_73 : memref<1x16x512xf32, #tpu.memory_space<hbm>> -> memref<16x512xf32, #tpu.memory_space<hbm>>
        %dma_start3A_75 = arith.constant 0 : i32
        %dma_start3A_76 = arith.constant 0 : i32
        %dma_start3A_77 = tpu.memref_slice %arg7[%add3A_19, %dma_start3A_75, %dma_start3A_76] : memref<8x16x640xf32, #tpu.memory_space<vmem>> -> memref<1x16x512xf32, #tpu.memory_space<vmem>>
        %dma_start3A_78 = tpu.memref_squeeze %dma_start3A_77 : memref<1x16x512xf32, #tpu.memory_space<vmem>> -> memref<16x512xf32, #tpu.memory_space<vmem>>
        tpu.enqueue_dma source(%dma_start3A_78 : memref<16x512xf32, #tpu.memory_space<vmem>>) target(%dma_start3A_74 : memref<16x512xf32, #tpu.memory_space<hbm>>) target_semaphore(%arg8 : memref<!tpu.dma_semaphore, #tpu.memory_space<semaphore_mem>>)
      } else {
      }
      %sub3A_41 = arith.constant 31 : i32
      %sub3A_42 = arith.subi %sub3A_41, %add3A_19 : i32
      %sub3A_43 = arith.constant 1 : i32
      %sub3A_44 = arith.subi %sub3A_43, %and3A_2 : i32
      %mul3A_45 = arith.constant 2 : i32
      %mul3A_46 = arith.muli %mul3A_45, %sub3A_44 : i32
      %add3A_47 = arith.constant 1 : i32
      %add3A_48 = arith.addi %mul3A_46, %add3A_47 : i32
      %mul3A_49 = arith.constant 8 : i32
      %mul3A_50 = arith.muli %mul3A_49, %add3A_48 : i32
      %sub3A_51 = arith.subi %sub3A_42, %mul3A_50 : i32
      %mul3A_52 = arith.constant 16 : i32
      %mul3A_53 = arith.muli %mul3A_52, %sub3A_51 : i32
      %lt3A_54 = arith.constant 8 : i32
      %lt3A_55 = arith.cmpi slt, %shift_right_logical3A_1, %lt3A_54 : i32
      %convert_element_type3A_56 = arith.extui %lt3A_55 : i1 to i32
      %cond3A_57 = arith.constant 0 : i32
      %cond3A_58 = arith.cmpi ne, %convert_element_type3A_56, %cond3A_57 : i32
      scf.if %cond3A_58 {
        %dma_start3A = arith.constant 0 : i32
        %dma_start3A_64 = arith.constant 128 : i32
        %dma_start3A_65 = tpu.memref_slice %arg7[%add3A_19, %dma_start3A, %dma_start3A_64] : memref<8x16x640xf32, #tpu.memory_space<vmem>> -> memref<1x16x512xf32, #tpu.memory_space<vmem>>
        %dma_start3A_66 = tpu.memref_squeeze %dma_start3A_65 : memref<1x16x512xf32, #tpu.memory_space<vmem>> -> memref<16x512xf32, #tpu.memory_space<vmem>>
        %dma_start3A_67 = arith.constant 0 : i32
        %dma_start3A_68 = tpu.memref_slice %arg4[%shift_right_logical3A_1, %mul3A_53, %dma_start3A_67] : memref<8x512x512xf32, #tpu.memory_space<hbm>> -> memref<1x16x512xf32, #tpu.memory_space<hbm>>
        %dma_start3A_69 = tpu.memref_squeeze %dma_start3A_68 : memref<1x16x512xf32, #tpu.memory_space<hbm>> -> memref<16x512xf32, #tpu.memory_space<hbm>>
        %dma_start3A_70 = arith.constant 0 : i32
        %dma_start3A_71 = tpu.memref_slice %arg4[%shift_right_logical3A_1, %mul3A_53, %dma_start3A_70] : memref<8x512x512xf32, #tpu.memory_space<hbm>> -> memref<1x16x512xf32, #tpu.memory_space<hbm>>
        %dma_start3A_72 = tpu.memref_squeeze %dma_start3A_71 : memref<1x16x512xf32, #tpu.memory_space<hbm>> -> memref<16x512xf32, #tpu.memory_space<hbm>>
        %dma_start3A_73 = arith.constant 0 : i32
        %dma_start3A_74 = arith.constant 128 : i32
        %dma_start3A_75 = tpu.memref_slice %arg7[%add3A_19, %dma_start3A_73, %dma_start3A_74] : memref<8x16x640xf32, #tpu.memory_space<vmem>> -> memref<1x16x512xf32, #tpu.memory_space<vmem>>
        %dma_start3A_76 = tpu.memref_squeeze %dma_start3A_75 : memref<1x16x512xf32, #tpu.memory_space<vmem>> -> memref<16x512xf32, #tpu.memory_space<vmem>>
        tpu.enqueue_dma source(%dma_start3A_76 : memref<16x512xf32, #tpu.memory_space<vmem>>) target(%dma_start3A_72 : memref<16x512xf32, #tpu.memory_space<hbm>>) target_semaphore(%arg8 : memref<!tpu.dma_semaphore, #tpu.memory_space<semaphore_mem>>)
      } else {
      }
      %ge3A_59 = arith.constant 8 : i32
      %ge3A_60 = arith.cmpi sge, %shift_right_logical3A_1, %ge3A_59 : i32
      %convert_element_type3A_61 = arith.extui %ge3A_60 : i1 to i32
      %cond3A_62 = arith.constant 0 : i32
      %cond3A_63 = arith.cmpi ne, %convert_element_type3A_61, %cond3A_62 : i32
      scf.if %cond3A_63 {
        %sub3A_64 = arith.constant 8 : i32
        %sub3A_65 = arith.subi %shift_right_logical3A_1, %sub3A_64 : i32
        %dma_start3A = arith.constant 0 : i32
        %dma_start3A_66 = arith.constant 128 : i32
        %dma_start3A_67 = tpu.memref_slice %arg7[%add3A_19, %dma_start3A, %dma_start3A_66] : memref<8x16x640xf32, #tpu.memory_space<vmem>> -> memref<1x16x512xf32, #tpu.memory_space<vmem>>
        %dma_start3A_68 = tpu.memref_squeeze %dma_start3A_67 : memref<1x16x512xf32, #tpu.memory_space<vmem>> -> memref<16x512xf32, #tpu.memory_space<vmem>>
        %dma_start3A_69 = arith.constant 0 : i32
        %dma_start3A_70 = tpu.memref_slice %arg5[%sub3A_65, %mul3A_53, %dma_start3A_69] : memref<8x512x512xf32, #tpu.memory_space<hbm>> -> memref<1x16x512xf32, #tpu.memory_space<hbm>>
        %dma_start3A_71 = tpu.memref_squeeze %dma_start3A_70 : memref<1x16x512xf32, #tpu.memory_space<hbm>> -> memref<16x512xf32, #tpu.memory_space<hbm>>
        %dma_start3A_72 = arith.constant 0 : i32
        %dma_start3A_73 = tpu.memref_slice %arg5[%sub3A_65, %mul3A_53, %dma_start3A_72] : memref<8x512x512xf32, #tpu.memory_space<hbm>> -> memref<1x16x512xf32, #tpu.memory_space<hbm>>
        %dma_start3A_74 = tpu.memref_squeeze %dma_start3A_73 : memref<1x16x512xf32, #tpu.memory_space<hbm>> -> memref<16x512xf32, #tpu.memory_space<hbm>>
        %dma_start3A_75 = arith.constant 0 : i32
        %dma_start3A_76 = arith.constant 128 : i32
        %dma_start3A_77 = tpu.memref_slice %arg7[%add3A_19, %dma_start3A_75, %dma_start3A_76] : memref<8x16x640xf32, #tpu.memory_space<vmem>> -> memref<1x16x512xf32, #tpu.memory_space<vmem>>
        %dma_start3A_78 = tpu.memref_squeeze %dma_start3A_77 : memref<1x16x512xf32, #tpu.memory_space<vmem>> -> memref<16x512xf32, #tpu.memory_space<vmem>>
        tpu.enqueue_dma source(%dma_start3A_78 : memref<16x512xf32, #tpu.memory_space<vmem>>) target(%dma_start3A_74 : memref<16x512xf32, #tpu.memory_space<hbm>>) target_semaphore(%arg8 : memref<!tpu.dma_semaphore, #tpu.memory_space<semaphore_mem>>)
      } else {
      }
    }
    %scan3A_9 = arith.constant 8 : i32
    %scan3A_10 = arith.constant 0 : i32
    %scan3A_11 = arith.constant 16 : i32
    %scan3A_12 = arith.addi %scan3A_10, %scan3A_11 : i32
    %scan3A_13 = arith.constant 1 : i32
    scf.for %scan3A_15 = %scan3A_10 to %scan3A_12 step %scan3A_13  : i32 {
      %mul3A_16 = arith.constant 1 : i32
      %mul3A_17 = arith.muli %scan3A_15, %mul3A_16 : i32
      %add3A_18 = arith.constant 0 : i32
      %add3A_19 = arith.addi %add3A_18, %mul3A_17 : i32
      %dma_wait3A = arith.constant 0 : i32
      %dma_wait3A_20 = arith.constant 0 : i32
      %dma_wait3A_21 = arith.constant 0 : i32
      %dma_wait3A_22 = arith.constant 0 : i32
      %dma_wait3A_23 = tpu.memref_slice %arg7[%dma_wait3A, %dma_wait3A_21, %dma_wait3A_22] : memref<8x16x640xf32, #tpu.memory_space<vmem>> -> memref<1x16x512xf32, #tpu.memory_space<vmem>>
      %dma_wait3A_24 = tpu.memref_squeeze %dma_wait3A_23 : memref<1x16x512xf32, #tpu.memory_space<vmem>> -> memref<16x512xf32, #tpu.memory_space<vmem>>
      %dma_wait3A_25 = arith.constant 0 : i32
      %dma_wait3A_26 = arith.constant 0 : i32
      %dma_wait3A_27 = tpu.memref_slice %arg4[%dma_wait3A_20, %dma_wait3A_25, %dma_wait3A_26] : memref<8x512x512xf32, #tpu.memory_space<hbm>> -> memref<1x16x512xf32, #tpu.memory_space<hbm>>
      %dma_wait3A_28 = tpu.memref_squeeze %dma_wait3A_27 : memref<1x16x512xf32, #tpu.memory_space<hbm>> -> memref<16x512xf32, #tpu.memory_space<hbm>>
      %dma_wait3A_29 = arith.constant 0 : i32
      %dma_wait3A_30 = arith.constant 0 : i32
      %dma_wait3A_31 = tpu.memref_slice %arg4[%dma_wait3A_20, %dma_wait3A_29, %dma_wait3A_30] : memref<8x512x512xf32, #tpu.memory_space<hbm>> -> memref<1x16x512xf32, #tpu.memory_space<hbm>>
      %dma_wait3A_32 = tpu.memref_squeeze %dma_wait3A_31 : memref<1x16x512xf32, #tpu.memory_space<hbm>> -> memref<16x512xf32, #tpu.memory_space<hbm>>
      %dma_wait3A_33 = arith.constant 0 : i32
      %dma_wait3A_34 = arith.constant 0 : i32
      %dma_wait3A_35 = tpu.memref_slice %arg7[%dma_wait3A, %dma_wait3A_33, %dma_wait3A_34] : memref<8x16x640xf32, #tpu.memory_space<vmem>> -> memref<1x16x512xf32, #tpu.memory_space<vmem>>
      %dma_wait3A_36 = tpu.memref_squeeze %dma_wait3A_35 : memref<1x16x512xf32, #tpu.memory_space<vmem>> -> memref<16x512xf32, #tpu.memory_space<vmem>>
      tpu.wait_dma2 semaphore(%arg8 : memref<!tpu.dma_semaphore, #tpu.memory_space<semaphore_mem>>) src(%dma_wait3A_36 : memref<16x512xf32, #tpu.memory_space<vmem>>) dst(%dma_wait3A_32 : memref<16x512xf32, #tpu.memory_space<hbm>>)
    }
    %scan3A_14 = arith.constant 16 : i32
    return
  }
}

module attributes {stable_mosaic.version = 14 : i64} {
  func.func @_tc_body(%arg0: i32, %arg1: memref<2x1x1023xf32, #tpu.memory_space<vmem>>, %arg2: memref<2x512x512xf32, #tpu.memory_space<vmem>>) attributes {dimension_semantics = [#tpu.dimension_semantics<arbitrary>], iteration_bounds = array<i64: 8>, scalar_prefetch = 0 : i64, scratch_operands = 0 : i64, tpu.core_type = #tpu.core_type<tc>, window_params = [{transform_indices = @transform_0, window_bounds = array<i64: 2, 1, 1023>}, {transform_indices = @transform_1, window_bounds = array<i64: 2, 512, 512>}]} {
    %get3A = arith.constant 0 : index
    %get3A_0 = arith.constant 0 : index
    %get3A_1 = arith.constant 0 : index
    %get3A_2 = vector.load %arg1[%get3A, %get3A_0, %get3A_1] : memref<2x1x1023xf32, #tpu.memory_space<vmem>>, vector<1x1x1023xf32>
    %get3A_3 = vector.shape_cast %get3A_2 : vector<1x1x1023xf32> to vector<1x1023xf32>
    %slice3A = vector.extract_strided_slice %get3A_3 {offsets = [0, 1022], sizes = [1, 1], strides = [1, 1]} : vector<1x1023xf32> to vector<1x1xf32>
    %concatenate3A = tpu.concatenate %get3A_3, %slice3A in 1 : vector<1x1023xf32>, vector<1x1xf32> -> vector<1x1024xf32>
    %broadcast_in_dim3A = vector.shape_cast %concatenate3A : vector<1x1024xf32> to vector<1x1024xf32>
    %broadcast_in_dim3A_4 = vector.broadcast %broadcast_in_dim3A : vector<1x1024xf32> to vector<16x1024xf32>
    %roll3A = arith.constant 1009 : i32
    %roll3A_5 = tpu.dynamic_rotate %broadcast_in_dim3A_4 by %roll3A dim 1 {stride = 1 : si32, stride_dimension = 0 : si32} : vector<16x1024xf32>, i32 -> vector<16x1024xf32>
    %slice3A_6 = vector.extract_strided_slice %roll3A_5 {offsets = [0, 0], sizes = [16, 512], strides = [1, 1]} : vector<16x1024xf32> to vector<16x512xf32>
    %swap3A = arith.constant 0 : index
    %swap3A_7 = arith.constant 496 : index
    %swap3A_8 = arith.constant 0 : index
    %swap3A_9 = vector.load %arg2[%swap3A, %swap3A_7, %swap3A_8] : memref<2x512x512xf32, #tpu.memory_space<vmem>>, vector<1x16x512xf32>
    %swap3A_10 = vector.shape_cast %swap3A_9 : vector<1x16x512xf32> to vector<16x512xf32>
    %swap3A_11 = vector.shape_cast %slice3A_6 : vector<16x512xf32> to vector<1x16x512xf32>
    tpu.vector_store %arg2[%swap3A, %swap3A_7, %swap3A_8], %swap3A_11 {strides = array<i32>} : memref<2x512x512xf32, #tpu.memory_space<vmem>>, vector<1x16x512xf32>,
    %slice3A_12 = vector.extract_strided_slice %roll3A_5 {offsets = [0, 128], sizes = [16, 512], strides = [1, 1]} : vector<16x1024xf32> to vector<16x512xf32>
    %swap3A_13 = arith.constant 0 : index
    %swap3A_14 = arith.constant 368 : index
    %swap3A_15 = arith.constant 0 : index
    %swap3A_16 = vector.load %arg2[%swap3A_13, %swap3A_14, %swap3A_15] : memref<2x512x512xf32, #tpu.memory_space<vmem>>, vector<1x16x512xf32>
    %swap3A_17 = vector.shape_cast %swap3A_16 : vector<1x16x512xf32> to vector<16x512xf32>
    %swap3A_18 = vector.shape_cast %slice3A_12 : vector<16x512xf32> to vector<1x16x512xf32>
    tpu.vector_store %arg2[%swap3A_13, %swap3A_14, %swap3A_15], %swap3A_18 {strides = array<i32>} : memref<2x512x512xf32, #tpu.memory_space<vmem>>, vector<1x16x512xf32>,
    %slice3A_19 = vector.extract_strided_slice %roll3A_5 {offsets = [0, 256], sizes = [16, 512], strides = [1, 1]} : vector<16x1024xf32> to vector<16x512xf32>
    %swap3A_20 = arith.constant 0 : index
    %swap3A_21 = arith.constant 240 : index
    %swap3A_22 = arith.constant 0 : index
    %swap3A_23 = vector.load %arg2[%swap3A_20, %swap3A_21, %swap3A_22] : memref<2x512x512xf32, #tpu.memory_space<vmem>>, vector<1x16x512xf32>
    %swap3A_24 = vector.shape_cast %swap3A_23 : vector<1x16x512xf32> to vector<16x512xf32>
    %swap3A_25 = vector.shape_cast %slice3A_19 : vector<16x512xf32> to vector<1x16x512xf32>
    tpu.vector_store %arg2[%swap3A_20, %swap3A_21, %swap3A_22], %swap3A_25 {strides = array<i32>} : memref<2x512x512xf32, #tpu.memory_space<vmem>>, vector<1x16x512xf32>,
    %slice3A_26 = vector.extract_strided_slice %roll3A_5 {offsets = [0, 384], sizes = [16, 512], strides = [1, 1]} : vector<16x1024xf32> to vector<16x512xf32>
    %swap3A_27 = arith.constant 0 : index
    %swap3A_28 = arith.constant 112 : index
    %swap3A_29 = arith.constant 0 : index
    %swap3A_30 = vector.load %arg2[%swap3A_27, %swap3A_28, %swap3A_29] : memref<2x512x512xf32, #tpu.memory_space<vmem>>, vector<1x16x512xf32>
    %swap3A_31 = vector.shape_cast %swap3A_30 : vector<1x16x512xf32> to vector<16x512xf32>
    %swap3A_32 = vector.shape_cast %slice3A_26 : vector<16x512xf32> to vector<1x16x512xf32>
    tpu.vector_store %arg2[%swap3A_27, %swap3A_28, %swap3A_29], %swap3A_32 {strides = array<i32>} : memref<2x512x512xf32, #tpu.memory_space<vmem>>, vector<1x16x512xf32>,
    %roll3A_33 = arith.constant 993 : i32
    %roll3A_34 = tpu.dynamic_rotate %broadcast_in_dim3A_4 by %roll3A_33 dim 1 {stride = 1 : si32, stride_dimension = 0 : si32} : vector<16x1024xf32>, i32 -> vector<16x1024xf32>
    %slice3A_35 = vector.extract_strided_slice %roll3A_34 {offsets = [0, 0], sizes = [16, 512], strides = [1, 1]} : vector<16x1024xf32> to vector<16x512xf32>
    %swap3A_36 = arith.constant 0 : index
    %swap3A_37 = arith.constant 480 : index
    %swap3A_38 = arith.constant 0 : index
    %swap3A_39 = vector.load %arg2[%swap3A_36, %swap3A_37, %swap3A_38] : memref<2x512x512xf32, #tpu.memory_space<vmem>>, vector<1x16x512xf32>
    %swap3A_40 = vector.shape_cast %swap3A_39 : vector<1x16x512xf32> to vector<16x512xf32>
    %swap3A_41 = vector.shape_cast %slice3A_35 : vector<16x512xf32> to vector<1x16x512xf32>
    tpu.vector_store %arg2[%swap3A_36, %swap3A_37, %swap3A_38], %swap3A_41 {strides = array<i32>} : memref<2x512x512xf32, #tpu.memory_space<vmem>>, vector<1x16x512xf32>,
    %slice3A_42 = vector.extract_strided_slice %roll3A_34 {offsets = [0, 128], sizes = [16, 512], strides = [1, 1]} : vector<16x1024xf32> to vector<16x512xf32>
    %swap3A_43 = arith.constant 0 : index
    %swap3A_44 = arith.constant 352 : index
    %swap3A_45 = arith.constant 0 : index
    %swap3A_46 = vector.load %arg2[%swap3A_43, %swap3A_44, %swap3A_45] : memref<2x512x512xf32, #tpu.memory_space<vmem>>, vector<1x16x512xf32>
    %swap3A_47 = vector.shape_cast %swap3A_46 : vector<1x16x512xf32> to vector<16x512xf32>
    %swap3A_48 = vector.shape_cast %slice3A_42 : vector<16x512xf32> to vector<1x16x512xf32>
    tpu.vector_store %arg2[%swap3A_43, %swap3A_44, %swap3A_45], %swap3A_48 {strides = array<i32>} : memref<2x512x512xf32, #tpu.memory_space<vmem>>, vector<1x16x512xf32>,
    %slice3A_49 = vector.extract_strided_slice %roll3A_34 {offsets = [0, 256], sizes = [16, 512], strides = [1, 1]} : vector<16x1024xf32> to vector<16x512xf32>
    %swap3A_50 = arith.constant 0 : index
    %swap3A_51 = arith.constant 224 : index
    %swap3A_52 = arith.constant 0 : index
    %swap3A_53 = vector.load %arg2[%swap3A_50, %swap3A_51, %swap3A_52] : memref<2x512x512xf32, #tpu.memory_space<vmem>>, vector<1x16x512xf32>
    %swap3A_54 = vector.shape_cast %swap3A_53 : vector<1x16x512xf32> to vector<16x512xf32>
    %swap3A_55 = vector.shape_cast %slice3A_49 : vector<16x512xf32> to vector<1x16x512xf32>
    tpu.vector_store %arg2[%swap3A_50, %swap3A_51, %swap3A_52], %swap3A_55 {strides = array<i32>} : memref<2x512x512xf32, #tpu.memory_space<vmem>>, vector<1x16x512xf32>,
    %slice3A_56 = vector.extract_strided_slice %roll3A_34 {offsets = [0, 384], sizes = [16, 512], strides = [1, 1]} : vector<16x1024xf32> to vector<16x512xf32>
    %swap3A_57 = arith.constant 0 : index
    %swap3A_58 = arith.constant 96 : index
    %swap3A_59 = arith.constant 0 : index
    %swap3A_60 = vector.load %arg2[%swap3A_57, %swap3A_58, %swap3A_59] : memref<2x512x512xf32, #tpu.memory_space<vmem>>, vector<1x16x512xf32>
    %swap3A_61 = vector.shape_cast %swap3A_60 : vector<1x16x512xf32> to vector<16x512xf32>
    %swap3A_62 = vector.shape_cast %slice3A_56 : vector<16x512xf32> to vector<1x16x512xf32>
    tpu.vector_store %arg2[%swap3A_57, %swap3A_58, %swap3A_59], %swap3A_62 {strides = array<i32>} : memref<2x512x512xf32, #tpu.memory_space<vmem>>, vector<1x16x512xf32>,
    %roll3A_63 = arith.constant 977 : i32
    %roll3A_64 = tpu.dynamic_rotate %broadcast_in_dim3A_4 by %roll3A_63 dim 1 {stride = 1 : si32, stride_dimension = 0 : si32} : vector<16x1024xf32>, i32 -> vector<16x1024xf32>
    %slice3A_65 = vector.extract_strided_slice %roll3A_64 {offsets = [0, 0], sizes = [16, 512], strides = [1, 1]} : vector<16x1024xf32> to vector<16x512xf32>
    %swap3A_66 = arith.constant 0 : index
    %swap3A_67 = arith.constant 464 : index
    %swap3A_68 = arith.constant 0 : index
    %swap3A_69 = vector.load %arg2[%swap3A_66, %swap3A_67, %swap3A_68] : memref<2x512x512xf32, #tpu.memory_space<vmem>>, vector<1x16x512xf32>
    %swap3A_70 = vector.shape_cast %swap3A_69 : vector<1x16x512xf32> to vector<16x512xf32>
    %swap3A_71 = vector.shape_cast %slice3A_65 : vector<16x512xf32> to vector<1x16x512xf32>
    tpu.vector_store %arg2[%swap3A_66, %swap3A_67, %swap3A_68], %swap3A_71 {strides = array<i32>} : memref<2x512x512xf32, #tpu.memory_space<vmem>>, vector<1x16x512xf32>,
    %slice3A_72 = vector.extract_strided_slice %roll3A_64 {offsets = [0, 128], sizes = [16, 512], strides = [1, 1]} : vector<16x1024xf32> to vector<16x512xf32>
    %swap3A_73 = arith.constant 0 : index
    %swap3A_74 = arith.constant 336 : index
    %swap3A_75 = arith.constant 0 : index
    %swap3A_76 = vector.load %arg2[%swap3A_73, %swap3A_74, %swap3A_75] : memref<2x512x512xf32, #tpu.memory_space<vmem>>, vector<1x16x512xf32>
    %swap3A_77 = vector.shape_cast %swap3A_76 : vector<1x16x512xf32> to vector<16x512xf32>
    %swap3A_78 = vector.shape_cast %slice3A_72 : vector<16x512xf32> to vector<1x16x512xf32>
    tpu.vector_store %arg2[%swap3A_73, %swap3A_74, %swap3A_75], %swap3A_78 {strides = array<i32>} : memref<2x512x512xf32, #tpu.memory_space<vmem>>, vector<1x16x512xf32>,
    %slice3A_79 = vector.extract_strided_slice %roll3A_64 {offsets = [0, 256], sizes = [16, 512], strides = [1, 1]} : vector<16x1024xf32> to vector<16x512xf32>
    %swap3A_80 = arith.constant 0 : index
    %swap3A_81 = arith.constant 208 : index
    %swap3A_82 = arith.constant 0 : index
    %swap3A_83 = vector.load %arg2[%swap3A_80, %swap3A_81, %swap3A_82] : memref<2x512x512xf32, #tpu.memory_space<vmem>>, vector<1x16x512xf32>
    %swap3A_84 = vector.shape_cast %swap3A_83 : vector<1x16x512xf32> to vector<16x512xf32>
    %swap3A_85 = vector.shape_cast %slice3A_79 : vector<16x512xf32> to vector<1x16x512xf32>
    tpu.vector_store %arg2[%swap3A_80, %swap3A_81, %swap3A_82], %swap3A_85 {strides = array<i32>} : memref<2x512x512xf32, #tpu.memory_space<vmem>>, vector<1x16x512xf32>,
    %slice3A_86 = vector.extract_strided_slice %roll3A_64 {offsets = [0, 384], sizes = [16, 512], strides = [1, 1]} : vector<16x1024xf32> to vector<16x512xf32>
    %swap3A_87 = arith.constant 0 : index
    %swap3A_88 = arith.constant 80 : index
    %swap3A_89 = arith.constant 0 : index
    %swap3A_90 = vector.load %arg2[%swap3A_87, %swap3A_88, %swap3A_89] : memref<2x512x512xf32, #tpu.memory_space<vmem>>, vector<1x16x512xf32>
    %swap3A_91 = vector.shape_cast %swap3A_90 : vector<1x16x512xf32> to vector<16x512xf32>
    %swap3A_92 = vector.shape_cast %slice3A_86 : vector<16x512xf32> to vector<1x16x512xf32>
    tpu.vector_store %arg2[%swap3A_87, %swap3A_88, %swap3A_89], %swap3A_92 {strides = array<i32>} : memref<2x512x512xf32, #tpu.memory_space<vmem>>, vector<1x16x512xf32>,
    %roll3A_93 = arith.constant 961 : i32
    %roll3A_94 = tpu.dynamic_rotate %broadcast_in_dim3A_4 by %roll3A_93 dim 1 {stride = 1 : si32, stride_dimension = 0 : si32} : vector<16x1024xf32>, i32 -> vector<16x1024xf32>
    %slice3A_95 = vector.extract_strided_slice %roll3A_94 {offsets = [0, 0], sizes = [16, 512], strides = [1, 1]} : vector<16x1024xf32> to vector<16x512xf32>
    %swap3A_96 = arith.constant 0 : index
    %swap3A_97 = arith.constant 448 : index
    %swap3A_98 = arith.constant 0 : index
    %swap3A_99 = vector.load %arg2[%swap3A_96, %swap3A_97, %swap3A_98] : memref<2x512x512xf32, #tpu.memory_space<vmem>>, vector<1x16x512xf32>
    %swap3A_100 = vector.shape_cast %swap3A_99 : vector<1x16x512xf32> to vector<16x512xf32>
    %swap3A_101 = vector.shape_cast %slice3A_95 : vector<16x512xf32> to vector<1x16x512xf32>
    tpu.vector_store %arg2[%swap3A_96, %swap3A_97, %swap3A_98], %swap3A_101 {strides = array<i32>} : memref<2x512x512xf32, #tpu.memory_space<vmem>>, vector<1x16x512xf32>,
    %slice3A_102 = vector.extract_strided_slice %roll3A_94 {offsets = [0, 128], sizes = [16, 512], strides = [1, 1]} : vector<16x1024xf32> to vector<16x512xf32>
    %swap3A_103 = arith.constant 0 : index
    %swap3A_104 = arith.constant 320 : index
    %swap3A_105 = arith.constant 0 : index
    %swap3A_106 = vector.load %arg2[%swap3A_103, %swap3A_104, %swap3A_105] : memref<2x512x512xf32, #tpu.memory_space<vmem>>, vector<1x16x512xf32>
    %swap3A_107 = vector.shape_cast %swap3A_106 : vector<1x16x512xf32> to vector<16x512xf32>
    %swap3A_108 = vector.shape_cast %slice3A_102 : vector<16x512xf32> to vector<1x16x512xf32>
    tpu.vector_store %arg2[%swap3A_103, %swap3A_104, %swap3A_105], %swap3A_108 {strides = array<i32>} : memref<2x512x512xf32, #tpu.memory_space<vmem>>, vector<1x16x512xf32>,
    %slice3A_109 = vector.extract_strided_slice %roll3A_94 {offsets = [0, 256], sizes = [16, 512], strides = [1, 1]} : vector<16x1024xf32> to vector<16x512xf32>
    %swap3A_110 = arith.constant 0 : index
    %swap3A_111 = arith.constant 192 : index
    %swap3A_112 = arith.constant 0 : index
    %swap3A_113 = vector.load %arg2[%swap3A_110, %swap3A_111, %swap3A_112] : memref<2x512x512xf32, #tpu.memory_space<vmem>>, vector<1x16x512xf32>
    %swap3A_114 = vector.shape_cast %swap3A_113 : vector<1x16x512xf32> to vector<16x512xf32>
    %swap3A_115 = vector.shape_cast %slice3A_109 : vector<16x512xf32> to vector<1x16x512xf32>
    tpu.vector_store %arg2[%swap3A_110, %swap3A_111, %swap3A_112], %swap3A_115 {strides = array<i32>} : memref<2x512x512xf32, #tpu.memory_space<vmem>>, vector<1x16x512xf32>,
    %slice3A_116 = vector.extract_strided_slice %roll3A_94 {offsets = [0, 384], sizes = [16, 512], strides = [1, 1]} : vector<16x1024xf32> to vector<16x512xf32>
    %swap3A_117 = arith.constant 0 : index
    %swap3A_118 = arith.constant 64 : index
    %swap3A_119 = arith.constant 0 : index
    %swap3A_120 = vector.load %arg2[%swap3A_117, %swap3A_118, %swap3A_119] : memref<2x512x512xf32, #tpu.memory_space<vmem>>, vector<1x16x512xf32>
    %swap3A_121 = vector.shape_cast %swap3A_120 : vector<1x16x512xf32> to vector<16x512xf32>
    %swap3A_122 = vector.shape_cast %slice3A_116 : vector<16x512xf32> to vector<1x16x512xf32>
    tpu.vector_store %arg2[%swap3A_117, %swap3A_118, %swap3A_119], %swap3A_122 {strides = array<i32>} : memref<2x512x512xf32, #tpu.memory_space<vmem>>, vector<1x16x512xf32>,
    %roll3A_123 = arith.constant 945 : i32
    %roll3A_124 = tpu.dynamic_rotate %broadcast_in_dim3A_4 by %roll3A_123 dim 1 {stride = 1 : si32, stride_dimension = 0 : si32} : vector<16x1024xf32>, i32 -> vector<16x1024xf32>
    %slice3A_125 = vector.extract_strided_slice %roll3A_124 {offsets = [0, 0], sizes = [16, 512], strides = [1, 1]} : vector<16x1024xf32> to vector<16x512xf32>
    %swap3A_126 = arith.constant 0 : index
    %swap3A_127 = arith.constant 432 : index
    %swap3A_128 = arith.constant 0 : index
    %swap3A_129 = vector.load %arg2[%swap3A_126, %swap3A_127, %swap3A_128] : memref<2x512x512xf32, #tpu.memory_space<vmem>>, vector<1x16x512xf32>
    %swap3A_130 = vector.shape_cast %swap3A_129 : vector<1x16x512xf32> to vector<16x512xf32>
    %swap3A_131 = vector.shape_cast %slice3A_125 : vector<16x512xf32> to vector<1x16x512xf32>
    tpu.vector_store %arg2[%swap3A_126, %swap3A_127, %swap3A_128], %swap3A_131 {strides = array<i32>} : memref<2x512x512xf32, #tpu.memory_space<vmem>>, vector<1x16x512xf32>,
    %slice3A_132 = vector.extract_strided_slice %roll3A_124 {offsets = [0, 128], sizes = [16, 512], strides = [1, 1]} : vector<16x1024xf32> to vector<16x512xf32>
    %swap3A_133 = arith.constant 0 : index
    %swap3A_134 = arith.constant 304 : index
    %swap3A_135 = arith.constant 0 : index
    %swap3A_136 = vector.load %arg2[%swap3A_133, %swap3A_134, %swap3A_135] : memref<2x512x512xf32, #tpu.memory_space<vmem>>, vector<1x16x512xf32>
    %swap3A_137 = vector.shape_cast %swap3A_136 : vector<1x16x512xf32> to vector<16x512xf32>
    %swap3A_138 = vector.shape_cast %slice3A_132 : vector<16x512xf32> to vector<1x16x512xf32>
    tpu.vector_store %arg2[%swap3A_133, %swap3A_134, %swap3A_135], %swap3A_138 {strides = array<i32>} : memref<2x512x512xf32, #tpu.memory_space<vmem>>, vector<1x16x512xf32>,
    %slice3A_139 = vector.extract_strided_slice %roll3A_124 {offsets = [0, 256], sizes = [16, 512], strides = [1, 1]} : vector<16x1024xf32> to vector<16x512xf32>
    %swap3A_140 = arith.constant 0 : index
    %swap3A_141 = arith.constant 176 : index
    %swap3A_142 = arith.constant 0 : index
    %swap3A_143 = vector.load %arg2[%swap3A_140, %swap3A_141, %swap3A_142] : memref<2x512x512xf32, #tpu.memory_space<vmem>>, vector<1x16x512xf32>
    %swap3A_144 = vector.shape_cast %swap3A_143 : vector<1x16x512xf32> to vector<16x512xf32>
    %swap3A_145 = vector.shape_cast %slice3A_139 : vector<16x512xf32> to vector<1x16x512xf32>
    tpu.vector_store %arg2[%swap3A_140, %swap3A_141, %swap3A_142], %swap3A_145 {strides = array<i32>} : memref<2x512x512xf32, #tpu.memory_space<vmem>>, vector<1x16x512xf32>,
    %slice3A_146 = vector.extract_strided_slice %roll3A_124 {offsets = [0, 384], sizes = [16, 512], strides = [1, 1]} : vector<16x1024xf32> to vector<16x512xf32>
    %swap3A_147 = arith.constant 0 : index
    %swap3A_148 = arith.constant 48 : index
    %swap3A_149 = arith.constant 0 : index
    %swap3A_150 = vector.load %arg2[%swap3A_147, %swap3A_148, %swap3A_149] : memref<2x512x512xf32, #tpu.memory_space<vmem>>, vector<1x16x512xf32>
    %swap3A_151 = vector.shape_cast %swap3A_150 : vector<1x16x512xf32> to vector<16x512xf32>
    %swap3A_152 = vector.shape_cast %slice3A_146 : vector<16x512xf32> to vector<1x16x512xf32>
    tpu.vector_store %arg2[%swap3A_147, %swap3A_148, %swap3A_149], %swap3A_152 {strides = array<i32>} : memref<2x512x512xf32, #tpu.memory_space<vmem>>, vector<1x16x512xf32>,
    %roll3A_153 = arith.constant 929 : i32
    %roll3A_154 = tpu.dynamic_rotate %broadcast_in_dim3A_4 by %roll3A_153 dim 1 {stride = 1 : si32, stride_dimension = 0 : si32} : vector<16x1024xf32>, i32 -> vector<16x1024xf32>
    %slice3A_155 = vector.extract_strided_slice %roll3A_154 {offsets = [0, 0], sizes = [16, 512], strides = [1, 1]} : vector<16x1024xf32> to vector<16x512xf32>
    %swap3A_156 = arith.constant 0 : index
    %swap3A_157 = arith.constant 416 : index
    %swap3A_158 = arith.constant 0 : index
    %swap3A_159 = vector.load %arg2[%swap3A_156, %swap3A_157, %swap3A_158] : memref<2x512x512xf32, #tpu.memory_space<vmem>>, vector<1x16x512xf32>
    %swap3A_160 = vector.shape_cast %swap3A_159 : vector<1x16x512xf32> to vector<16x512xf32>
    %swap3A_161 = vector.shape_cast %slice3A_155 : vector<16x512xf32> to vector<1x16x512xf32>
    tpu.vector_store %arg2[%swap3A_156, %swap3A_157, %swap3A_158], %swap3A_161 {strides = array<i32>} : memref<2x512x512xf32, #tpu.memory_space<vmem>>, vector<1x16x512xf32>,
    %slice3A_162 = vector.extract_strided_slice %roll3A_154 {offsets = [0, 128], sizes = [16, 512], strides = [1, 1]} : vector<16x1024xf32> to vector<16x512xf32>
    %swap3A_163 = arith.constant 0 : index
    %swap3A_164 = arith.constant 288 : index
    %swap3A_165 = arith.constant 0 : index
    %swap3A_166 = vector.load %arg2[%swap3A_163, %swap3A_164, %swap3A_165] : memref<2x512x512xf32, #tpu.memory_space<vmem>>, vector<1x16x512xf32>
    %swap3A_167 = vector.shape_cast %swap3A_166 : vector<1x16x512xf32> to vector<16x512xf32>
    %swap3A_168 = vector.shape_cast %slice3A_162 : vector<16x512xf32> to vector<1x16x512xf32>
    tpu.vector_store %arg2[%swap3A_163, %swap3A_164, %swap3A_165], %swap3A_168 {strides = array<i32>} : memref<2x512x512xf32, #tpu.memory_space<vmem>>, vector<1x16x512xf32>,
    %slice3A_169 = vector.extract_strided_slice %roll3A_154 {offsets = [0, 256], sizes = [16, 512], strides = [1, 1]} : vector<16x1024xf32> to vector<16x512xf32>
    %swap3A_170 = arith.constant 0 : index
    %swap3A_171 = arith.constant 160 : index
    %swap3A_172 = arith.constant 0 : index
    %swap3A_173 = vector.load %arg2[%swap3A_170, %swap3A_171, %swap3A_172] : memref<2x512x512xf32, #tpu.memory_space<vmem>>, vector<1x16x512xf32>
    %swap3A_174 = vector.shape_cast %swap3A_173 : vector<1x16x512xf32> to vector<16x512xf32>
    %swap3A_175 = vector.shape_cast %slice3A_169 : vector<16x512xf32> to vector<1x16x512xf32>
    tpu.vector_store %arg2[%swap3A_170, %swap3A_171, %swap3A_172], %swap3A_175 {strides = array<i32>} : memref<2x512x512xf32, #tpu.memory_space<vmem>>, vector<1x16x512xf32>,
    %slice3A_176 = vector.extract_strided_slice %roll3A_154 {offsets = [0, 384], sizes = [16, 512], strides = [1, 1]} : vector<16x1024xf32> to vector<16x512xf32>
    %swap3A_177 = arith.constant 0 : index
    %swap3A_178 = arith.constant 32 : index
    %swap3A_179 = arith.constant 0 : index
    %swap3A_180 = vector.load %arg2[%swap3A_177, %swap3A_178, %swap3A_179] : memref<2x512x512xf32, #tpu.memory_space<vmem>>, vector<1x16x512xf32>
    %swap3A_181 = vector.shape_cast %swap3A_180 : vector<1x16x512xf32> to vector<16x512xf32>
    %swap3A_182 = vector.shape_cast %slice3A_176 : vector<16x512xf32> to vector<1x16x512xf32>
    tpu.vector_store %arg2[%swap3A_177, %swap3A_178, %swap3A_179], %swap3A_182 {strides = array<i32>} : memref<2x512x512xf32, #tpu.memory_space<vmem>>, vector<1x16x512xf32>,
    %roll3A_183 = arith.constant 913 : i32
    %roll3A_184 = tpu.dynamic_rotate %broadcast_in_dim3A_4 by %roll3A_183 dim 1 {stride = 1 : si32, stride_dimension = 0 : si32} : vector<16x1024xf32>, i32 -> vector<16x1024xf32>
    %slice3A_185 = vector.extract_strided_slice %roll3A_184 {offsets = [0, 0], sizes = [16, 512], strides = [1, 1]} : vector<16x1024xf32> to vector<16x512xf32>
    %swap3A_186 = arith.constant 0 : index
    %swap3A_187 = arith.constant 400 : index
    %swap3A_188 = arith.constant 0 : index
    %swap3A_189 = vector.load %arg2[%swap3A_186, %swap3A_187, %swap3A_188] : memref<2x512x512xf32, #tpu.memory_space<vmem>>, vector<1x16x512xf32>
    %swap3A_190 = vector.shape_cast %swap3A_189 : vector<1x16x512xf32> to vector<16x512xf32>
    %swap3A_191 = vector.shape_cast %slice3A_185 : vector<16x512xf32> to vector<1x16x512xf32>
    tpu.vector_store %arg2[%swap3A_186, %swap3A_187, %swap3A_188], %swap3A_191 {strides = array<i32>} : memref<2x512x512xf32, #tpu.memory_space<vmem>>, vector<1x16x512xf32>,
    %slice3A_192 = vector.extract_strided_slice %roll3A_184 {offsets = [0, 128], sizes = [16, 512], strides = [1, 1]} : vector<16x1024xf32> to vector<16x512xf32>
    %swap3A_193 = arith.constant 0 : index
    %swap3A_194 = arith.constant 272 : index
    %swap3A_195 = arith.constant 0 : index
    %swap3A_196 = vector.load %arg2[%swap3A_193, %swap3A_194, %swap3A_195] : memref<2x512x512xf32, #tpu.memory_space<vmem>>, vector<1x16x512xf32>
    %swap3A_197 = vector.shape_cast %swap3A_196 : vector<1x16x512xf32> to vector<16x512xf32>
    %swap3A_198 = vector.shape_cast %slice3A_192 : vector<16x512xf32> to vector<1x16x512xf32>
    tpu.vector_store %arg2[%swap3A_193, %swap3A_194, %swap3A_195], %swap3A_198 {strides = array<i32>} : memref<2x512x512xf32, #tpu.memory_space<vmem>>, vector<1x16x512xf32>,
    %slice3A_199 = vector.extract_strided_slice %roll3A_184 {offsets = [0, 256], sizes = [16, 512], strides = [1, 1]} : vector<16x1024xf32> to vector<16x512xf32>
    %swap3A_200 = arith.constant 0 : index
    %swap3A_201 = arith.constant 144 : index
    %swap3A_202 = arith.constant 0 : index
    %swap3A_203 = vector.load %arg2[%swap3A_200, %swap3A_201, %swap3A_202] : memref<2x512x512xf32, #tpu.memory_space<vmem>>, vector<1x16x512xf32>
    %swap3A_204 = vector.shape_cast %swap3A_203 : vector<1x16x512xf32> to vector<16x512xf32>
    %swap3A_205 = vector.shape_cast %slice3A_199 : vector<16x512xf32> to vector<1x16x512xf32>
    tpu.vector_store %arg2[%swap3A_200, %swap3A_201, %swap3A_202], %swap3A_205 {strides = array<i32>} : memref<2x512x512xf32, #tpu.memory_space<vmem>>, vector<1x16x512xf32>,
    %slice3A_206 = vector.extract_strided_slice %roll3A_184 {offsets = [0, 384], sizes = [16, 512], strides = [1, 1]} : vector<16x1024xf32> to vector<16x512xf32>
    %swap3A_207 = arith.constant 0 : index
    %swap3A_208 = arith.constant 16 : index
    %swap3A_209 = arith.constant 0 : index
    %swap3A_210 = vector.load %arg2[%swap3A_207, %swap3A_208, %swap3A_209] : memref<2x512x512xf32, #tpu.memory_space<vmem>>, vector<1x16x512xf32>
    %swap3A_211 = vector.shape_cast %swap3A_210 : vector<1x16x512xf32> to vector<16x512xf32>
    %swap3A_212 = vector.shape_cast %slice3A_206 : vector<16x512xf32> to vector<1x16x512xf32>
    tpu.vector_store %arg2[%swap3A_207, %swap3A_208, %swap3A_209], %swap3A_212 {strides = array<i32>} : memref<2x512x512xf32, #tpu.memory_space<vmem>>, vector<1x16x512xf32>,
    %roll3A_213 = arith.constant 897 : i32
    %roll3A_214 = tpu.dynamic_rotate %broadcast_in_dim3A_4 by %roll3A_213 dim 1 {stride = 1 : si32, stride_dimension = 0 : si32} : vector<16x1024xf32>, i32 -> vector<16x1024xf32>
    %slice3A_215 = vector.extract_strided_slice %roll3A_214 {offsets = [0, 0], sizes = [16, 512], strides = [1, 1]} : vector<16x1024xf32> to vector<16x512xf32>
    %swap3A_216 = arith.constant 0 : index
    %swap3A_217 = arith.constant 384 : index
    %swap3A_218 = arith.constant 0 : index
    %swap3A_219 = vector.load %arg2[%swap3A_216, %swap3A_217, %swap3A_218] : memref<2x512x512xf32, #tpu.memory_space<vmem>>, vector<1x16x512xf32>
    %swap3A_220 = vector.shape_cast %swap3A_219 : vector<1x16x512xf32> to vector<16x512xf32>
    %swap3A_221 = vector.shape_cast %slice3A_215 : vector<16x512xf32> to vector<1x16x512xf32>
    tpu.vector_store %arg2[%swap3A_216, %swap3A_217, %swap3A_218], %swap3A_221 {strides = array<i32>} : memref<2x512x512xf32, #tpu.memory_space<vmem>>, vector<1x16x512xf32>,
    %slice3A_222 = vector.extract_strided_slice %roll3A_214 {offsets = [0, 128], sizes = [16, 512], strides = [1, 1]} : vector<16x1024xf32> to vector<16x512xf32>
    %swap3A_223 = arith.constant 0 : index
    %swap3A_224 = arith.constant 256 : index
    %swap3A_225 = arith.constant 0 : index
    %swap3A_226 = vector.load %arg2[%swap3A_223, %swap3A_224, %swap3A_225] : memref<2x512x512xf32, #tpu.memory_space<vmem>>, vector<1x16x512xf32>
    %swap3A_227 = vector.shape_cast %swap3A_226 : vector<1x16x512xf32> to vector<16x512xf32>
    %swap3A_228 = vector.shape_cast %slice3A_222 : vector<16x512xf32> to vector<1x16x512xf32>
    tpu.vector_store %arg2[%swap3A_223, %swap3A_224, %swap3A_225], %swap3A_228 {strides = array<i32>} : memref<2x512x512xf32, #tpu.memory_space<vmem>>, vector<1x16x512xf32>,
    %slice3A_229 = vector.extract_strided_slice %roll3A_214 {offsets = [0, 256], sizes = [16, 512], strides = [1, 1]} : vector<16x1024xf32> to vector<16x512xf32>
    %swap3A_230 = arith.constant 0 : index
    %swap3A_231 = arith.constant 128 : index
    %swap3A_232 = arith.constant 0 : index
    %swap3A_233 = vector.load %arg2[%swap3A_230, %swap3A_231, %swap3A_232] : memref<2x512x512xf32, #tpu.memory_space<vmem>>, vector<1x16x512xf32>
    %swap3A_234 = vector.shape_cast %swap3A_233 : vector<1x16x512xf32> to vector<16x512xf32>
    %swap3A_235 = vector.shape_cast %slice3A_229 : vector<16x512xf32> to vector<1x16x512xf32>
    tpu.vector_store %arg2[%swap3A_230, %swap3A_231, %swap3A_232], %swap3A_235 {strides = array<i32>} : memref<2x512x512xf32, #tpu.memory_space<vmem>>, vector<1x16x512xf32>,
    %slice3A_236 = vector.extract_strided_slice %roll3A_214 {offsets = [0, 384], sizes = [16, 512], strides = [1, 1]} : vector<16x1024xf32> to vector<16x512xf32>
    %swap3A_237 = arith.constant 0 : index
    %swap3A_238 = arith.constant 0 : index
    %swap3A_239 = arith.constant 0 : index
    %swap3A_240 = vector.load %arg2[%swap3A_237, %swap3A_238, %swap3A_239] : memref<2x512x512xf32, #tpu.memory_space<vmem>>, vector<1x16x512xf32>
    %swap3A_241 = vector.shape_cast %swap3A_240 : vector<1x16x512xf32> to vector<16x512xf32>
    %swap3A_242 = vector.shape_cast %slice3A_236 : vector<16x512xf32> to vector<1x16x512xf32>
    tpu.vector_store %arg2[%swap3A_237, %swap3A_238, %swap3A_239], %swap3A_242 {strides = array<i32>} : memref<2x512x512xf32, #tpu.memory_space<vmem>>, vector<1x16x512xf32>,
    %get3A_243 = arith.constant 1 : index
    %get3A_244 = arith.constant 0 : index
    %get3A_245 = arith.constant 0 : index
    %get3A_246 = vector.load %arg1[%get3A_243, %get3A_244, %get3A_245] : memref<2x1x1023xf32, #tpu.memory_space<vmem>>, vector<1x1x1023xf32>
    %get3A_247 = vector.shape_cast %get3A_246 : vector<1x1x1023xf32> to vector<1x1023xf32>
    %slice3A_248 = vector.extract_strided_slice %get3A_247 {offsets = [0, 1022], sizes = [1, 1], strides = [1, 1]} : vector<1x1023xf32> to vector<1x1xf32>
    %concatenate3A_249 = tpu.concatenate %get3A_247, %slice3A_248 in 1 : vector<1x1023xf32>, vector<1x1xf32> -> vector<1x1024xf32>
    %broadcast_in_dim3A_250 = vector.shape_cast %concatenate3A_249 : vector<1x1024xf32> to vector<1x1024xf32>
    %broadcast_in_dim3A_251 = vector.broadcast %broadcast_in_dim3A_250 : vector<1x1024xf32> to vector<16x1024xf32>
    %roll3A_252 = arith.constant 1009 : i32
    %roll3A_253 = tpu.dynamic_rotate %broadcast_in_dim3A_251 by %roll3A_252 dim 1 {stride = 1 : si32, stride_dimension = 0 : si32} : vector<16x1024xf32>, i32 -> vector<16x1024xf32>
    %slice3A_254 = vector.extract_strided_slice %roll3A_253 {offsets = [0, 0], sizes = [16, 512], strides = [1, 1]} : vector<16x1024xf32> to vector<16x512xf32>
    %swap3A_255 = arith.constant 1 : index
    %swap3A_256 = arith.constant 496 : index
    %swap3A_257 = arith.constant 0 : index
    %swap3A_258 = vector.load %arg2[%swap3A_255, %swap3A_256, %swap3A_257] : memref<2x512x512xf32, #tpu.memory_space<vmem>>, vector<1x16x512xf32>
    %swap3A_259 = vector.shape_cast %swap3A_258 : vector<1x16x512xf32> to vector<16x512xf32>
    %swap3A_260 = vector.shape_cast %slice3A_254 : vector<16x512xf32> to vector<1x16x512xf32>
    tpu.vector_store %arg2[%swap3A_255, %swap3A_256, %swap3A_257], %swap3A_260 {strides = array<i32>} : memref<2x512x512xf32, #tpu.memory_space<vmem>>, vector<1x16x512xf32>,
    %slice3A_261 = vector.extract_strided_slice %roll3A_253 {offsets = [0, 128], sizes = [16, 512], strides = [1, 1]} : vector<16x1024xf32> to vector<16x512xf32>
    %swap3A_262 = arith.constant 1 : index
    %swap3A_263 = arith.constant 368 : index
    %swap3A_264 = arith.constant 0 : index
    %swap3A_265 = vector.load %arg2[%swap3A_262, %swap3A_263, %swap3A_264] : memref<2x512x512xf32, #tpu.memory_space<vmem>>, vector<1x16x512xf32>
    %swap3A_266 = vector.shape_cast %swap3A_265 : vector<1x16x512xf32> to vector<16x512xf32>
    %swap3A_267 = vector.shape_cast %slice3A_261 : vector<16x512xf32> to vector<1x16x512xf32>
    tpu.vector_store %arg2[%swap3A_262, %swap3A_263, %swap3A_264], %swap3A_267 {strides = array<i32>} : memref<2x512x512xf32, #tpu.memory_space<vmem>>, vector<1x16x512xf32>,
    %slice3A_268 = vector.extract_strided_slice %roll3A_253 {offsets = [0, 256], sizes = [16, 512], strides = [1, 1]} : vector<16x1024xf32> to vector<16x512xf32>
    %swap3A_269 = arith.constant 1 : index
    %swap3A_270 = arith.constant 240 : index
    %swap3A_271 = arith.constant 0 : index
    %swap3A_272 = vector.load %arg2[%swap3A_269, %swap3A_270, %swap3A_271] : memref<2x512x512xf32, #tpu.memory_space<vmem>>, vector<1x16x512xf32>
    %swap3A_273 = vector.shape_cast %swap3A_272 : vector<1x16x512xf32> to vector<16x512xf32>
    %swap3A_274 = vector.shape_cast %slice3A_268 : vector<16x512xf32> to vector<1x16x512xf32>
    tpu.vector_store %arg2[%swap3A_269, %swap3A_270, %swap3A_271], %swap3A_274 {strides = array<i32>} : memref<2x512x512xf32, #tpu.memory_space<vmem>>, vector<1x16x512xf32>,
    %slice3A_275 = vector.extract_strided_slice %roll3A_253 {offsets = [0, 384], sizes = [16, 512], strides = [1, 1]} : vector<16x1024xf32> to vector<16x512xf32>
    %swap3A_276 = arith.constant 1 : index
    %swap3A_277 = arith.constant 112 : index
    %swap3A_278 = arith.constant 0 : index
    %swap3A_279 = vector.load %arg2[%swap3A_276, %swap3A_277, %swap3A_278] : memref<2x512x512xf32, #tpu.memory_space<vmem>>, vector<1x16x512xf32>
    %swap3A_280 = vector.shape_cast %swap3A_279 : vector<1x16x512xf32> to vector<16x512xf32>
    %swap3A_281 = vector.shape_cast %slice3A_275 : vector<16x512xf32> to vector<1x16x512xf32>
    tpu.vector_store %arg2[%swap3A_276, %swap3A_277, %swap3A_278], %swap3A_281 {strides = array<i32>} : memref<2x512x512xf32, #tpu.memory_space<vmem>>, vector<1x16x512xf32>,
    %roll3A_282 = arith.constant 993 : i32
    %roll3A_283 = tpu.dynamic_rotate %broadcast_in_dim3A_251 by %roll3A_282 dim 1 {stride = 1 : si32, stride_dimension = 0 : si32} : vector<16x1024xf32>, i32 -> vector<16x1024xf32>
    %slice3A_284 = vector.extract_strided_slice %roll3A_283 {offsets = [0, 0], sizes = [16, 512], strides = [1, 1]} : vector<16x1024xf32> to vector<16x512xf32>
    %swap3A_285 = arith.constant 1 : index
    %swap3A_286 = arith.constant 480 : index
    %swap3A_287 = arith.constant 0 : index
    %swap3A_288 = vector.load %arg2[%swap3A_285, %swap3A_286, %swap3A_287] : memref<2x512x512xf32, #tpu.memory_space<vmem>>, vector<1x16x512xf32>
    %swap3A_289 = vector.shape_cast %swap3A_288 : vector<1x16x512xf32> to vector<16x512xf32>
    %swap3A_290 = vector.shape_cast %slice3A_284 : vector<16x512xf32> to vector<1x16x512xf32>
    tpu.vector_store %arg2[%swap3A_285, %swap3A_286, %swap3A_287], %swap3A_290 {strides = array<i32>} : memref<2x512x512xf32, #tpu.memory_space<vmem>>, vector<1x16x512xf32>,
    %slice3A_291 = vector.extract_strided_slice %roll3A_283 {offsets = [0, 128], sizes = [16, 512], strides = [1, 1]} : vector<16x1024xf32> to vector<16x512xf32>
    %swap3A_292 = arith.constant 1 : index
    %swap3A_293 = arith.constant 352 : index
    %swap3A_294 = arith.constant 0 : index
    %swap3A_295 = vector.load %arg2[%swap3A_292, %swap3A_293, %swap3A_294] : memref<2x512x512xf32, #tpu.memory_space<vmem>>, vector<1x16x512xf32>
    %swap3A_296 = vector.shape_cast %swap3A_295 : vector<1x16x512xf32> to vector<16x512xf32>
    %swap3A_297 = vector.shape_cast %slice3A_291 : vector<16x512xf32> to vector<1x16x512xf32>
    tpu.vector_store %arg2[%swap3A_292, %swap3A_293, %swap3A_294], %swap3A_297 {strides = array<i32>} : memref<2x512x512xf32, #tpu.memory_space<vmem>>, vector<1x16x512xf32>,
    %slice3A_298 = vector.extract_strided_slice %roll3A_283 {offsets = [0, 256], sizes = [16, 512], strides = [1, 1]} : vector<16x1024xf32> to vector<16x512xf32>
    %swap3A_299 = arith.constant 1 : index
    %swap3A_300 = arith.constant 224 : index
    %swap3A_301 = arith.constant 0 : index
    %swap3A_302 = vector.load %arg2[%swap3A_299, %swap3A_300, %swap3A_301] : memref<2x512x512xf32, #tpu.memory_space<vmem>>, vector<1x16x512xf32>
    %swap3A_303 = vector.shape_cast %swap3A_302 : vector<1x16x512xf32> to vector<16x512xf32>
    %swap3A_304 = vector.shape_cast %slice3A_298 : vector<16x512xf32> to vector<1x16x512xf32>
    tpu.vector_store %arg2[%swap3A_299, %swap3A_300, %swap3A_301], %swap3A_304 {strides = array<i32>} : memref<2x512x512xf32, #tpu.memory_space<vmem>>, vector<1x16x512xf32>,
    %slice3A_305 = vector.extract_strided_slice %roll3A_283 {offsets = [0, 384], sizes = [16, 512], strides = [1, 1]} : vector<16x1024xf32> to vector<16x512xf32>
    %swap3A_306 = arith.constant 1 : index
    %swap3A_307 = arith.constant 96 : index
    %swap3A_308 = arith.constant 0 : index
    %swap3A_309 = vector.load %arg2[%swap3A_306, %swap3A_307, %swap3A_308] : memref<2x512x512xf32, #tpu.memory_space<vmem>>, vector<1x16x512xf32>
    %swap3A_310 = vector.shape_cast %swap3A_309 : vector<1x16x512xf32> to vector<16x512xf32>
    %swap3A_311 = vector.shape_cast %slice3A_305 : vector<16x512xf32> to vector<1x16x512xf32>
    tpu.vector_store %arg2[%swap3A_306, %swap3A_307, %swap3A_308], %swap3A_311 {strides = array<i32>} : memref<2x512x512xf32, #tpu.memory_space<vmem>>, vector<1x16x512xf32>,
    %roll3A_312 = arith.constant 977 : i32
    %roll3A_313 = tpu.dynamic_rotate %broadcast_in_dim3A_251 by %roll3A_312 dim 1 {stride = 1 : si32, stride_dimension = 0 : si32} : vector<16x1024xf32>, i32 -> vector<16x1024xf32>
    %slice3A_314 = vector.extract_strided_slice %roll3A_313 {offsets = [0, 0], sizes = [16, 512], strides = [1, 1]} : vector<16x1024xf32> to vector<16x512xf32>
    %swap3A_315 = arith.constant 1 : index
    %swap3A_316 = arith.constant 464 : index
    %swap3A_317 = arith.constant 0 : index
    %swap3A_318 = vector.load %arg2[%swap3A_315, %swap3A_316, %swap3A_317] : memref<2x512x512xf32, #tpu.memory_space<vmem>>, vector<1x16x512xf32>
    %swap3A_319 = vector.shape_cast %swap3A_318 : vector<1x16x512xf32> to vector<16x512xf32>
    %swap3A_320 = vector.shape_cast %slice3A_314 : vector<16x512xf32> to vector<1x16x512xf32>
    tpu.vector_store %arg2[%swap3A_315, %swap3A_316, %swap3A_317], %swap3A_320 {strides = array<i32>} : memref<2x512x512xf32, #tpu.memory_space<vmem>>, vector<1x16x512xf32>,
    %slice3A_321 = vector.extract_strided_slice %roll3A_313 {offsets = [0, 128], sizes = [16, 512], strides = [1, 1]} : vector<16x1024xf32> to vector<16x512xf32>
    %swap3A_322 = arith.constant 1 : index
    %swap3A_323 = arith.constant 336 : index
    %swap3A_324 = arith.constant 0 : index
    %swap3A_325 = vector.load %arg2[%swap3A_322, %swap3A_323, %swap3A_324] : memref<2x512x512xf32, #tpu.memory_space<vmem>>, vector<1x16x512xf32>
    %swap3A_326 = vector.shape_cast %swap3A_325 : vector<1x16x512xf32> to vector<16x512xf32>
    %swap3A_327 = vector.shape_cast %slice3A_321 : vector<16x512xf32> to vector<1x16x512xf32>
    tpu.vector_store %arg2[%swap3A_322, %swap3A_323, %swap3A_324], %swap3A_327 {strides = array<i32>} : memref<2x512x512xf32, #tpu.memory_space<vmem>>, vector<1x16x512xf32>,
    %slice3A_328 = vector.extract_strided_slice %roll3A_313 {offsets = [0, 256], sizes = [16, 512], strides = [1, 1]} : vector<16x1024xf32> to vector<16x512xf32>
    %swap3A_329 = arith.constant 1 : index
    %swap3A_330 = arith.constant 208 : index
    %swap3A_331 = arith.constant 0 : index
    %swap3A_332 = vector.load %arg2[%swap3A_329, %swap3A_330, %swap3A_331] : memref<2x512x512xf32, #tpu.memory_space<vmem>>, vector<1x16x512xf32>
    %swap3A_333 = vector.shape_cast %swap3A_332 : vector<1x16x512xf32> to vector<16x512xf32>
    %swap3A_334 = vector.shape_cast %slice3A_328 : vector<16x512xf32> to vector<1x16x512xf32>
    tpu.vector_store %arg2[%swap3A_329, %swap3A_330, %swap3A_331], %swap3A_334 {strides = array<i32>} : memref<2x512x512xf32, #tpu.memory_space<vmem>>, vector<1x16x512xf32>,
    %slice3A_335 = vector.extract_strided_slice %roll3A_313 {offsets = [0, 384], sizes = [16, 512], strides = [1, 1]} : vector<16x1024xf32> to vector<16x512xf32>
    %swap3A_336 = arith.constant 1 : index
    %swap3A_337 = arith.constant 80 : index
    %swap3A_338 = arith.constant 0 : index
    %swap3A_339 = vector.load %arg2[%swap3A_336, %swap3A_337, %swap3A_338] : memref<2x512x512xf32, #tpu.memory_space<vmem>>, vector<1x16x512xf32>
    %swap3A_340 = vector.shape_cast %swap3A_339 : vector<1x16x512xf32> to vector<16x512xf32>
    %swap3A_341 = vector.shape_cast %slice3A_335 : vector<16x512xf32> to vector<1x16x512xf32>
    tpu.vector_store %arg2[%swap3A_336, %swap3A_337, %swap3A_338], %swap3A_341 {strides = array<i32>} : memref<2x512x512xf32, #tpu.memory_space<vmem>>, vector<1x16x512xf32>,
    %roll3A_342 = arith.constant 961 : i32
    %roll3A_343 = tpu.dynamic_rotate %broadcast_in_dim3A_251 by %roll3A_342 dim 1 {stride = 1 : si32, stride_dimension = 0 : si32} : vector<16x1024xf32>, i32 -> vector<16x1024xf32>
    %slice3A_344 = vector.extract_strided_slice %roll3A_343 {offsets = [0, 0], sizes = [16, 512], strides = [1, 1]} : vector<16x1024xf32> to vector<16x512xf32>
    %swap3A_345 = arith.constant 1 : index
    %swap3A_346 = arith.constant 448 : index
    %swap3A_347 = arith.constant 0 : index
    %swap3A_348 = vector.load %arg2[%swap3A_345, %swap3A_346, %swap3A_347] : memref<2x512x512xf32, #tpu.memory_space<vmem>>, vector<1x16x512xf32>
    %swap3A_349 = vector.shape_cast %swap3A_348 : vector<1x16x512xf32> to vector<16x512xf32>
    %swap3A_350 = vector.shape_cast %slice3A_344 : vector<16x512xf32> to vector<1x16x512xf32>
    tpu.vector_store %arg2[%swap3A_345, %swap3A_346, %swap3A_347], %swap3A_350 {strides = array<i32>} : memref<2x512x512xf32, #tpu.memory_space<vmem>>, vector<1x16x512xf32>,
    %slice3A_351 = vector.extract_strided_slice %roll3A_343 {offsets = [0, 128], sizes = [16, 512], strides = [1, 1]} : vector<16x1024xf32> to vector<16x512xf32>
    %swap3A_352 = arith.constant 1 : index
    %swap3A_353 = arith.constant 320 : index
    %swap3A_354 = arith.constant 0 : index
    %swap3A_355 = vector.load %arg2[%swap3A_352, %swap3A_353, %swap3A_354] : memref<2x512x512xf32, #tpu.memory_space<vmem>>, vector<1x16x512xf32>
    %swap3A_356 = vector.shape_cast %swap3A_355 : vector<1x16x512xf32> to vector<16x512xf32>
    %swap3A_357 = vector.shape_cast %slice3A_351 : vector<16x512xf32> to vector<1x16x512xf32>
    tpu.vector_store %arg2[%swap3A_352, %swap3A_353, %swap3A_354], %swap3A_357 {strides = array<i32>} : memref<2x512x512xf32, #tpu.memory_space<vmem>>, vector<1x16x512xf32>,
    %slice3A_358 = vector.extract_strided_slice %roll3A_343 {offsets = [0, 256], sizes = [16, 512], strides = [1, 1]} : vector<16x1024xf32> to vector<16x512xf32>
    %swap3A_359 = arith.constant 1 : index
    %swap3A_360 = arith.constant 192 : index
    %swap3A_361 = arith.constant 0 : index
    %swap3A_362 = vector.load %arg2[%swap3A_359, %swap3A_360, %swap3A_361] : memref<2x512x512xf32, #tpu.memory_space<vmem>>, vector<1x16x512xf32>
    %swap3A_363 = vector.shape_cast %swap3A_362 : vector<1x16x512xf32> to vector<16x512xf32>
    %swap3A_364 = vector.shape_cast %slice3A_358 : vector<16x512xf32> to vector<1x16x512xf32>
    tpu.vector_store %arg2[%swap3A_359, %swap3A_360, %swap3A_361], %swap3A_364 {strides = array<i32>} : memref<2x512x512xf32, #tpu.memory_space<vmem>>, vector<1x16x512xf32>,
    %slice3A_365 = vector.extract_strided_slice %roll3A_343 {offsets = [0, 384], sizes = [16, 512], strides = [1, 1]} : vector<16x1024xf32> to vector<16x512xf32>
    %swap3A_366 = arith.constant 1 : index
    %swap3A_367 = arith.constant 64 : index
    %swap3A_368 = arith.constant 0 : index
    %swap3A_369 = vector.load %arg2[%swap3A_366, %swap3A_367, %swap3A_368] : memref<2x512x512xf32, #tpu.memory_space<vmem>>, vector<1x16x512xf32>
    %swap3A_370 = vector.shape_cast %swap3A_369 : vector<1x16x512xf32> to vector<16x512xf32>
    %swap3A_371 = vector.shape_cast %slice3A_365 : vector<16x512xf32> to vector<1x16x512xf32>
    tpu.vector_store %arg2[%swap3A_366, %swap3A_367, %swap3A_368], %swap3A_371 {strides = array<i32>} : memref<2x512x512xf32, #tpu.memory_space<vmem>>, vector<1x16x512xf32>,
    %roll3A_372 = arith.constant 945 : i32
    %roll3A_373 = tpu.dynamic_rotate %broadcast_in_dim3A_251 by %roll3A_372 dim 1 {stride = 1 : si32, stride_dimension = 0 : si32} : vector<16x1024xf32>, i32 -> vector<16x1024xf32>
    %slice3A_374 = vector.extract_strided_slice %roll3A_373 {offsets = [0, 0], sizes = [16, 512], strides = [1, 1]} : vector<16x1024xf32> to vector<16x512xf32>
    %swap3A_375 = arith.constant 1 : index
    %swap3A_376 = arith.constant 432 : index
    %swap3A_377 = arith.constant 0 : index
    %swap3A_378 = vector.load %arg2[%swap3A_375, %swap3A_376, %swap3A_377] : memref<2x512x512xf32, #tpu.memory_space<vmem>>, vector<1x16x512xf32>
    %swap3A_379 = vector.shape_cast %swap3A_378 : vector<1x16x512xf32> to vector<16x512xf32>
    %swap3A_380 = vector.shape_cast %slice3A_374 : vector<16x512xf32> to vector<1x16x512xf32>
    tpu.vector_store %arg2[%swap3A_375, %swap3A_376, %swap3A_377], %swap3A_380 {strides = array<i32>} : memref<2x512x512xf32, #tpu.memory_space<vmem>>, vector<1x16x512xf32>,
    %slice3A_381 = vector.extract_strided_slice %roll3A_373 {offsets = [0, 128], sizes = [16, 512], strides = [1, 1]} : vector<16x1024xf32> to vector<16x512xf32>
    %swap3A_382 = arith.constant 1 : index
    %swap3A_383 = arith.constant 304 : index
    %swap3A_384 = arith.constant 0 : index
    %swap3A_385 = vector.load %arg2[%swap3A_382, %swap3A_383, %swap3A_384] : memref<2x512x512xf32, #tpu.memory_space<vmem>>, vector<1x16x512xf32>
    %swap3A_386 = vector.shape_cast %swap3A_385 : vector<1x16x512xf32> to vector<16x512xf32>
    %swap3A_387 = vector.shape_cast %slice3A_381 : vector<16x512xf32> to vector<1x16x512xf32>
    tpu.vector_store %arg2[%swap3A_382, %swap3A_383, %swap3A_384], %swap3A_387 {strides = array<i32>} : memref<2x512x512xf32, #tpu.memory_space<vmem>>, vector<1x16x512xf32>,
    %slice3A_388 = vector.extract_strided_slice %roll3A_373 {offsets = [0, 256], sizes = [16, 512], strides = [1, 1]} : vector<16x1024xf32> to vector<16x512xf32>
    %swap3A_389 = arith.constant 1 : index
    %swap3A_390 = arith.constant 176 : index
    %swap3A_391 = arith.constant 0 : index
    %swap3A_392 = vector.load %arg2[%swap3A_389, %swap3A_390, %swap3A_391] : memref<2x512x512xf32, #tpu.memory_space<vmem>>, vector<1x16x512xf32>
    %swap3A_393 = vector.shape_cast %swap3A_392 : vector<1x16x512xf32> to vector<16x512xf32>
    %swap3A_394 = vector.shape_cast %slice3A_388 : vector<16x512xf32> to vector<1x16x512xf32>
    tpu.vector_store %arg2[%swap3A_389, %swap3A_390, %swap3A_391], %swap3A_394 {strides = array<i32>} : memref<2x512x512xf32, #tpu.memory_space<vmem>>, vector<1x16x512xf32>,
    %slice3A_395 = vector.extract_strided_slice %roll3A_373 {offsets = [0, 384], sizes = [16, 512], strides = [1, 1]} : vector<16x1024xf32> to vector<16x512xf32>
    %swap3A_396 = arith.constant 1 : index
    %swap3A_397 = arith.constant 48 : index
    %swap3A_398 = arith.constant 0 : index
    %swap3A_399 = vector.load %arg2[%swap3A_396, %swap3A_397, %swap3A_398] : memref<2x512x512xf32, #tpu.memory_space<vmem>>, vector<1x16x512xf32>
    %swap3A_400 = vector.shape_cast %swap3A_399 : vector<1x16x512xf32> to vector<16x512xf32>
    %swap3A_401 = vector.shape_cast %slice3A_395 : vector<16x512xf32> to vector<1x16x512xf32>
    tpu.vector_store %arg2[%swap3A_396, %swap3A_397, %swap3A_398], %swap3A_401 {strides = array<i32>} : memref<2x512x512xf32, #tpu.memory_space<vmem>>, vector<1x16x512xf32>,
    %roll3A_402 = arith.constant 929 : i32
    %roll3A_403 = tpu.dynamic_rotate %broadcast_in_dim3A_251 by %roll3A_402 dim 1 {stride = 1 : si32, stride_dimension = 0 : si32} : vector<16x1024xf32>, i32 -> vector<16x1024xf32>
    %slice3A_404 = vector.extract_strided_slice %roll3A_403 {offsets = [0, 0], sizes = [16, 512], strides = [1, 1]} : vector<16x1024xf32> to vector<16x512xf32>
    %swap3A_405 = arith.constant 1 : index
    %swap3A_406 = arith.constant 416 : index
    %swap3A_407 = arith.constant 0 : index
    %swap3A_408 = vector.load %arg2[%swap3A_405, %swap3A_406, %swap3A_407] : memref<2x512x512xf32, #tpu.memory_space<vmem>>, vector<1x16x512xf32>
    %swap3A_409 = vector.shape_cast %swap3A_408 : vector<1x16x512xf32> to vector<16x512xf32>
    %swap3A_410 = vector.shape_cast %slice3A_404 : vector<16x512xf32> to vector<1x16x512xf32>
    tpu.vector_store %arg2[%swap3A_405, %swap3A_406, %swap3A_407], %swap3A_410 {strides = array<i32>} : memref<2x512x512xf32, #tpu.memory_space<vmem>>, vector<1x16x512xf32>,
    %slice3A_411 = vector.extract_strided_slice %roll3A_403 {offsets = [0, 128], sizes = [16, 512], strides = [1, 1]} : vector<16x1024xf32> to vector<16x512xf32>
    %swap3A_412 = arith.constant 1 : index
    %swap3A_413 = arith.constant 288 : index
    %swap3A_414 = arith.constant 0 : index
    %swap3A_415 = vector.load %arg2[%swap3A_412, %swap3A_413, %swap3A_414] : memref<2x512x512xf32, #tpu.memory_space<vmem>>, vector<1x16x512xf32>
    %swap3A_416 = vector.shape_cast %swap3A_415 : vector<1x16x512xf32> to vector<16x512xf32>
    %swap3A_417 = vector.shape_cast %slice3A_411 : vector<16x512xf32> to vector<1x16x512xf32>
    tpu.vector_store %arg2[%swap3A_412, %swap3A_413, %swap3A_414], %swap3A_417 {strides = array<i32>} : memref<2x512x512xf32, #tpu.memory_space<vmem>>, vector<1x16x512xf32>,
    %slice3A_418 = vector.extract_strided_slice %roll3A_403 {offsets = [0, 256], sizes = [16, 512], strides = [1, 1]} : vector<16x1024xf32> to vector<16x512xf32>
    %swap3A_419 = arith.constant 1 : index
    %swap3A_420 = arith.constant 160 : index
    %swap3A_421 = arith.constant 0 : index
    %swap3A_422 = vector.load %arg2[%swap3A_419, %swap3A_420, %swap3A_421] : memref<2x512x512xf32, #tpu.memory_space<vmem>>, vector<1x16x512xf32>
    %swap3A_423 = vector.shape_cast %swap3A_422 : vector<1x16x512xf32> to vector<16x512xf32>
    %swap3A_424 = vector.shape_cast %slice3A_418 : vector<16x512xf32> to vector<1x16x512xf32>
    tpu.vector_store %arg2[%swap3A_419, %swap3A_420, %swap3A_421], %swap3A_424 {strides = array<i32>} : memref<2x512x512xf32, #tpu.memory_space<vmem>>, vector<1x16x512xf32>,
    %slice3A_425 = vector.extract_strided_slice %roll3A_403 {offsets = [0, 384], sizes = [16, 512], strides = [1, 1]} : vector<16x1024xf32> to vector<16x512xf32>
    %swap3A_426 = arith.constant 1 : index
    %swap3A_427 = arith.constant 32 : index
    %swap3A_428 = arith.constant 0 : index
    %swap3A_429 = vector.load %arg2[%swap3A_426, %swap3A_427, %swap3A_428] : memref<2x512x512xf32, #tpu.memory_space<vmem>>, vector<1x16x512xf32>
    %swap3A_430 = vector.shape_cast %swap3A_429 : vector<1x16x512xf32> to vector<16x512xf32>
    %swap3A_431 = vector.shape_cast %slice3A_425 : vector<16x512xf32> to vector<1x16x512xf32>
    tpu.vector_store %arg2[%swap3A_426, %swap3A_427, %swap3A_428], %swap3A_431 {strides = array<i32>} : memref<2x512x512xf32, #tpu.memory_space<vmem>>, vector<1x16x512xf32>,
    %roll3A_432 = arith.constant 913 : i32
    %roll3A_433 = tpu.dynamic_rotate %broadcast_in_dim3A_251 by %roll3A_432 dim 1 {stride = 1 : si32, stride_dimension = 0 : si32} : vector<16x1024xf32>, i32 -> vector<16x1024xf32>
    %slice3A_434 = vector.extract_strided_slice %roll3A_433 {offsets = [0, 0], sizes = [16, 512], strides = [1, 1]} : vector<16x1024xf32> to vector<16x512xf32>
    %swap3A_435 = arith.constant 1 : index
    %swap3A_436 = arith.constant 400 : index
    %swap3A_437 = arith.constant 0 : index
    %swap3A_438 = vector.load %arg2[%swap3A_435, %swap3A_436, %swap3A_437] : memref<2x512x512xf32, #tpu.memory_space<vmem>>, vector<1x16x512xf32>
    %swap3A_439 = vector.shape_cast %swap3A_438 : vector<1x16x512xf32> to vector<16x512xf32>
    %swap3A_440 = vector.shape_cast %slice3A_434 : vector<16x512xf32> to vector<1x16x512xf32>
    tpu.vector_store %arg2[%swap3A_435, %swap3A_436, %swap3A_437], %swap3A_440 {strides = array<i32>} : memref<2x512x512xf32, #tpu.memory_space<vmem>>, vector<1x16x512xf32>,
    %slice3A_441 = vector.extract_strided_slice %roll3A_433 {offsets = [0, 128], sizes = [16, 512], strides = [1, 1]} : vector<16x1024xf32> to vector<16x512xf32>
    %swap3A_442 = arith.constant 1 : index
    %swap3A_443 = arith.constant 272 : index
    %swap3A_444 = arith.constant 0 : index
    %swap3A_445 = vector.load %arg2[%swap3A_442, %swap3A_443, %swap3A_444] : memref<2x512x512xf32, #tpu.memory_space<vmem>>, vector<1x16x512xf32>
    %swap3A_446 = vector.shape_cast %swap3A_445 : vector<1x16x512xf32> to vector<16x512xf32>
    %swap3A_447 = vector.shape_cast %slice3A_441 : vector<16x512xf32> to vector<1x16x512xf32>
    tpu.vector_store %arg2[%swap3A_442, %swap3A_443, %swap3A_444], %swap3A_447 {strides = array<i32>} : memref<2x512x512xf32, #tpu.memory_space<vmem>>, vector<1x16x512xf32>,
    %slice3A_448 = vector.extract_strided_slice %roll3A_433 {offsets = [0, 256], sizes = [16, 512], strides = [1, 1]} : vector<16x1024xf32> to vector<16x512xf32>
    %swap3A_449 = arith.constant 1 : index
    %swap3A_450 = arith.constant 144 : index
    %swap3A_451 = arith.constant 0 : index
    %swap3A_452 = vector.load %arg2[%swap3A_449, %swap3A_450, %swap3A_451] : memref<2x512x512xf32, #tpu.memory_space<vmem>>, vector<1x16x512xf32>
    %swap3A_453 = vector.shape_cast %swap3A_452 : vector<1x16x512xf32> to vector<16x512xf32>
    %swap3A_454 = vector.shape_cast %slice3A_448 : vector<16x512xf32> to vector<1x16x512xf32>
    tpu.vector_store %arg2[%swap3A_449, %swap3A_450, %swap3A_451], %swap3A_454 {strides = array<i32>} : memref<2x512x512xf32, #tpu.memory_space<vmem>>, vector<1x16x512xf32>,
    %slice3A_455 = vector.extract_strided_slice %roll3A_433 {offsets = [0, 384], sizes = [16, 512], strides = [1, 1]} : vector<16x1024xf32> to vector<16x512xf32>
    %swap3A_456 = arith.constant 1 : index
    %swap3A_457 = arith.constant 16 : index
    %swap3A_458 = arith.constant 0 : index
    %swap3A_459 = vector.load %arg2[%swap3A_456, %swap3A_457, %swap3A_458] : memref<2x512x512xf32, #tpu.memory_space<vmem>>, vector<1x16x512xf32>
    %swap3A_460 = vector.shape_cast %swap3A_459 : vector<1x16x512xf32> to vector<16x512xf32>
    %swap3A_461 = vector.shape_cast %slice3A_455 : vector<16x512xf32> to vector<1x16x512xf32>
    tpu.vector_store %arg2[%swap3A_456, %swap3A_457, %swap3A_458], %swap3A_461 {strides = array<i32>} : memref<2x512x512xf32, #tpu.memory_space<vmem>>, vector<1x16x512xf32>,
    %roll3A_462 = arith.constant 897 : i32
    %roll3A_463 = tpu.dynamic_rotate %broadcast_in_dim3A_251 by %roll3A_462 dim 1 {stride = 1 : si32, stride_dimension = 0 : si32} : vector<16x1024xf32>, i32 -> vector<16x1024xf32>
    %slice3A_464 = vector.extract_strided_slice %roll3A_463 {offsets = [0, 0], sizes = [16, 512], strides = [1, 1]} : vector<16x1024xf32> to vector<16x512xf32>
    %swap3A_465 = arith.constant 1 : index
    %swap3A_466 = arith.constant 384 : index
    %swap3A_467 = arith.constant 0 : index
    %swap3A_468 = vector.load %arg2[%swap3A_465, %swap3A_466, %swap3A_467] : memref<2x512x512xf32, #tpu.memory_space<vmem>>, vector<1x16x512xf32>
    %swap3A_469 = vector.shape_cast %swap3A_468 : vector<1x16x512xf32> to vector<16x512xf32>
    %swap3A_470 = vector.shape_cast %slice3A_464 : vector<16x512xf32> to vector<1x16x512xf32>
    tpu.vector_store %arg2[%swap3A_465, %swap3A_466, %swap3A_467], %swap3A_470 {strides = array<i32>} : memref<2x512x512xf32, #tpu.memory_space<vmem>>, vector<1x16x512xf32>,
    %slice3A_471 = vector.extract_strided_slice %roll3A_463 {offsets = [0, 128], sizes = [16, 512], strides = [1, 1]} : vector<16x1024xf32> to vector<16x512xf32>
    %swap3A_472 = arith.constant 1 : index
    %swap3A_473 = arith.constant 256 : index
    %swap3A_474 = arith.constant 0 : index
    %swap3A_475 = vector.load %arg2[%swap3A_472, %swap3A_473, %swap3A_474] : memref<2x512x512xf32, #tpu.memory_space<vmem>>, vector<1x16x512xf32>
    %swap3A_476 = vector.shape_cast %swap3A_475 : vector<1x16x512xf32> to vector<16x512xf32>
    %swap3A_477 = vector.shape_cast %slice3A_471 : vector<16x512xf32> to vector<1x16x512xf32>
    tpu.vector_store %arg2[%swap3A_472, %swap3A_473, %swap3A_474], %swap3A_477 {strides = array<i32>} : memref<2x512x512xf32, #tpu.memory_space<vmem>>, vector<1x16x512xf32>,
    %slice3A_478 = vector.extract_strided_slice %roll3A_463 {offsets = [0, 256], sizes = [16, 512], strides = [1, 1]} : vector<16x1024xf32> to vector<16x512xf32>
    %swap3A_479 = arith.constant 1 : index
    %swap3A_480 = arith.constant 128 : index
    %swap3A_481 = arith.constant 0 : index
    %swap3A_482 = vector.load %arg2[%swap3A_479, %swap3A_480, %swap3A_481] : memref<2x512x512xf32, #tpu.memory_space<vmem>>, vector<1x16x512xf32>
    %swap3A_483 = vector.shape_cast %swap3A_482 : vector<1x16x512xf32> to vector<16x512xf32>
    %swap3A_484 = vector.shape_cast %slice3A_478 : vector<16x512xf32> to vector<1x16x512xf32>
    tpu.vector_store %arg2[%swap3A_479, %swap3A_480, %swap3A_481], %swap3A_484 {strides = array<i32>} : memref<2x512x512xf32, #tpu.memory_space<vmem>>, vector<1x16x512xf32>,
    %slice3A_485 = vector.extract_strided_slice %roll3A_463 {offsets = [0, 384], sizes = [16, 512], strides = [1, 1]} : vector<16x1024xf32> to vector<16x512xf32>
    %swap3A_486 = arith.constant 1 : index
    %swap3A_487 = arith.constant 0 : index
    %swap3A_488 = arith.constant 0 : index
    %swap3A_489 = vector.load %arg2[%swap3A_486, %swap3A_487, %swap3A_488] : memref<2x512x512xf32, #tpu.memory_space<vmem>>, vector<1x16x512xf32>
    %swap3A_490 = vector.shape_cast %swap3A_489 : vector<1x16x512xf32> to vector<16x512xf32>
    %swap3A_491 = vector.shape_cast %slice3A_485 : vector<16x512xf32> to vector<1x16x512xf32>
    tpu.vector_store %arg2[%swap3A_486, %swap3A_487, %swap3A_488], %swap3A_491 {strides = array<i32>} : memref<2x512x512xf32, #tpu.memory_space<vmem>>, vector<1x16x512xf32>,
    return
  }
  func.func @transform_0(%arg0: i32) -> (i32, i32, i32) {
    %c0_i32 = arith.constant 0 : i32
    %c0_i32_0 = arith.constant 0 : i32
    %c0_i32_1 = arith.constant 0 : i32
    return %arg0, %c0_i32, %c0_i32_0 : i32, i32, i32
  }
  func.func @transform_1(%arg0: i32) -> (i32, i32, i32) {
    %c0_i32 = arith.constant 0 : i32
    %c0_i32_0 = arith.constant 0 : i32
    %c0_i32_1 = arith.constant 0 : i32
    return %arg0, %c0_i32, %c0_i32_0 : i32, i32, i32
  }
}

</mosaic_0001>

<sc_bundles>
// kernel: kernel.4.cloned.1.call-start
scs
__scs_entry_jumppad:
0x0: {  	(pc) =	sbr.rel $0x88, $3  }
0x1: {  	(tag) =	ssettag $0x0;
	lr =	simm.s32 $0x1  }
0x2: {  	[smem:$0x3FA0] =	sst lr;
	_ =	strace $0xD0000000  }
0x3: {  	_ = 	snop  }
0x4: {  	_ = 	snop  }
0x5: {  	_ = 	snop  }
0x6: {  	_ = 	snop  }
0x7: {  	_ = 	snop  }
__scs_overlays_trampoline_lowered:
0x8: {  	[smem:$0x3FAF] =	sst s0  }
0x9: {  	[smem:$0x3FB0] =	sst s1  }
0xa: {  	[smem:$0x3FB1] =	sst s2  }
0xb: {  	[smem:$0x3FB2] =	sst s3  }
0xc: {  	[smem:$0x3FB3] =	sst s4  }
0xd: {  	[smem:$0x3FB4] =	sst s5  }
0xe: {  	[smem:$0x3FB5] =	sst s6  }
0xf: {  	[smem:$0x3FB6] =	sst s7  }
0x10: {  	[smem:$0x3FB7] =	sst s8  }
0x11: {  	[smem:$0x3FB8] =	sst s9;
	s0 =	simm.s32 @!p0 $0x0  }
0x12: {  	s1 =	sld [smem:$0x3F9E];
	s0 =	simm.s32 @p0 $0x1  }
0x13: {  	[smem:$0x3FB9] =	sst s0;
	s0 =	simm.s32 @!p1 $0x0  }
0x14: {  	s2 =	sld [smem:$0x3F9D];
	s0 =	simm.s32 @p1 $0x1  }
0x15: {  	[smem:$0x3FBA] =	sst s0;
	s0 =	simm.s32 @!p2 $0x0  }
0x16: {  	s3 =	sld [smem:$0x3FDB];
	s0 =	simm.s32 @p2 $0x1  }
0x17: {  	s4 =	simm.s32 $0x1BF5;
	[smem:$0x3FBC] =	sst s0  }
0x18: {  	s0 =	sld [smem:$0x3F9F];
	_ =	swait.ge [sflag:s4], $0x0  }
0x19: {  	s7 =	sld [smem:$0x3FA0]  }
0x1a: {  	s8 =	sadd.s32 $0xFFFFE003, lr  }
0x1b: {  	s9 =	sadd.s32 $0xFFFFFEF7, lr;
	s5 =	simm.s32 $0xFFFFFFFF;
	p2 =	slt.u32 s8, $0xFFFFF086  }
0x1c: {  	p1 =	slt.u32 s9, $0xF7A;
	s5 =	simm.s32 @!p2 $0x0  }
0x1d: {  	s5 =	simm.s32 @p1 $0x1;
	p0 =	seq.s32 s7, s2  }
0x1e: {  	s7 =	smul.u32 @!p0 $0xF7A, s2;
	p2 =	seq.s32 @!p0 s5, $0x0  }
0x1f: {  	s9 =	smul.u32 $0xF7A, s1;
	s8 =	simm.s32 @!p0 $0x1BF5;
	p2 =	por !p2, p0  }
0x20: {  	[sflag:s8] =	ssyncset.s32 @!p0 $0xFFFFF086;
	s6 =	sadd.s32 @!p0 s3, s7;
	s7 =	simm.s32 @!p0 $0x108  }
0x21: {  	s3 =	sadd.s32 s3, s9;
	s6 =	sadd.s32 @!p0 $0x88, s6;
	s7 =	simm.s32 @p2 $0x1082  }
0x22: {  	[simem:s7], [sflag:s8] =	dma.local @!p0 [hbm:s6], $0xF7A  }
0x23: {  	s9 =	sor.u32 $0xD0000000, s2;
	s6 =	simm.s32 $0x108;
	_ =	swait.ge @!p0 [sflag:s8], $0x0  }
0x24: {  	s3 =	sadd.s32 $0x88, s3;
	s6 =	simm.s32 @!p1 $0x1082;
	[sflag:s4] =	ssyncset.s32 $0xFFFFF086  }
0x25: {  	[simem:s6], [sflag:s4] =	dma.local [hbm:s3], $0xF7A  }
0x26: {  	[smem:$0x3FA0] =	sst s1;
	(tag) =	ssettag s2;
	_ =	strace s9  }
0x27: {  	s1 =	sld [smem:$0x3FB0]  }
0x28: {  	s2 =	sld [smem:$0x3FB1]  }
0x29: {  	s4 =	sld [smem:$0x3FB3]  }
0x2a: {  	p0 =	seq.s32 s5, $0x0;
	s5 =	sld [smem:$0x3FB4]  }
0x2b: {  	s6 =	sld [smem:$0x3FB5]  }
0x2c: {  	s7 =	sld [smem:$0x3FB6]  }
0x2d: {  	s3 =	simm.s32 $0x108;
	s8 =	sld [smem:$0x3FB7]  }
0x2e: {  	s3 =	simm.s32 @!p0 $0x1082;
	s9 =	sld [smem:$0x3FB8]  }
0x2f: {  	lr =	sadd.s32 s0, s3;
	s0 =	sld [smem:$0x3FAF]  }
0x30: {  	s3 =	sld [smem:$0x3FB2]  }
0x31: {  	[smem:$0x3FBB] =	sst s10  }
0x32: {  	s10 =	sld [smem:$0x3FB9];
	_ =	sdelay $0x3  }
0x33: {  	p0 =	seq.s32 s10, $0x1;
	s10 =	sld [smem:$0x3FBB];
	_ =	sdelay $0x3  }
0x34: {  	[smem:$0x3FBB] =	sst s10  }
0x35: {  	s10 =	sld [smem:$0x3FBA];
	_ =	sdelay $0x3  }
0x36: {  	p1 =	seq.s32 s10, $0x1;
	s10 =	sld [smem:$0x3FBB];
	_ =	sdelay $0x3  }
0x37: {  	[smem:$0x3FBB] =	sst s10  }
0x38: {  	s10 =	sld [smem:$0x3FBC]  }
0x39: {  	_ = 	snop;
	(pc) =	sbr.ind lr, $3  }
0x3a: {  	_ = 	snop  }
0x3b: {  	_ = 	snop  }
0x3c: {  	p2 =	seq.s32 s10, $0x1;
	s10 =	sld [smem:$0x3FBB]  }
0x3d: {  	_ =	shalt  }
0x3e: {  	_ =	shalt  }
0x3f: {  	_ =	shalt  }
0x40: {  	_ =	shalt  }
0x41: {  	_ =	shalt  }
0x42: {  	_ =	shalt  }
0x43: {  	_ =	shalt  }
0x44: {  	_ =	shalt  }
0x45: {  	_ =	shalt  }
0x46: {  	_ =	shalt  }
0x47: {  	_ =	shalt  }
0x48: {  	_ =	shalt  }
0x49: {  	_ =	shalt  }
0x4a: {  	_ =	shalt  }
0x4b: {  	_ =	shalt  }
0x4c: {  	_ =	shalt  }
0x4d: {  	_ =	shalt  }
0x4e: {  	_ =	shalt  }
0x4f: {  	_ =	shalt  }
0x50: {  	_ =	shalt  }
0x51: {  	_ =	shalt  }
0x52: {  	_ =	shalt  }
0x53: {  	_ =	shalt  }
0x54: {  	_ =	shalt  }
0x55: {  	_ =	shalt  }
0x56: {  	_ =	shalt  }
0x57: {  	_ =	shalt  }
0x58: {  	_ =	shalt  }
0x59: {  	_ =	shalt  }
0x5a: {  	_ =	shalt  }
0x5b: {  	_ =	shalt  }
0x5c: {  	_ =	shalt  }
0x5d: {  	_ =	shalt  }
0x5e: {  	_ =	shalt  }
0x5f: {  	_ =	shalt  }
0x60: {  	_ =	shalt  }
0x61: {  	_ =	shalt  }
0x62: {  	_ =	shalt  }
0x63: {  	_ =	shalt  }
0x64: {  	_ =	shalt  }
0x65: {  	_ =	shalt  }
0x66: {  	_ =	shalt  }
0x67: {  	_ =	shalt  }
0x68: {  	_ =	shalt  }
0x69: {  	_ =	shalt  }
0x6a: {  	_ =	shalt  }
0x6b: {  	_ =	shalt  }
0x6c: {  	_ =	shalt  }
0x6d: {  	_ =	shalt  }
0x6e: {  	_ =	shalt  }
0x6f: {  	_ =	shalt  }
0x70: {  	_ =	shalt  }
0x71: {  	_ =	shalt  }
0x72: {  	_ =	shalt  }
0x73: {  	_ =	shalt  }
0x74: {  	_ =	shalt  }
0x75: {  	_ =	shalt  }
0x76: {  	_ =	shalt  }
0x77: {  	_ =	shalt  }
0x78: {  	_ =	shalt  }
0x79: {  	_ =	shalt  }
0x7a: {  	_ =	shalt  }
0x7b: {  	_ =	shalt  }
0x7c: {  	_ =	shalt  }
0x7d: {  	_ =	shalt  }
0x7e: {  	_ =	shalt  }
0x7f: {  	_ =	shalt  }
0x80: {  	_ =	shalt  }
0x81: {  	_ =	shalt  }
0x82: {  	_ =	shalt  }
0x83: {  	_ =	shalt  }
0x84: {  	_ =	shalt  }
0x85: {  	_ =	shalt  }
0x86: {  	_ =	shalt  }
0x87: {  	_ =	shalt  }
.Lfunc_end0:
.L_simem_size_0:
called_computation_lowered:
.L_overlay_start_0:
0x88: {  	s2 =	sld [smem:$0x3FD9]  }
0x89: {  	s3 =	sld [smem:$0x3FFE];
	_ =	sdelay $0x1  }
0x8a: {  	s1 =	srdreg.scid  }
0x8b: {  	s0 =	sand.u32 $0x1, s1  }
0x8c: {  	s15 =	sshll.u32 s0, $0xA;
	s2 =	sadd.s32 s3, s2  }
0x8d: {  	s2 =	sadd.s32 s2, s15  }
0x8e: {  	[smem:$0x3FC7] =	sst s2  }
0x8f: {  	_ = 	snop  }
0x90: {  	s2 =	sld [smem:$0x3FD0];
	_ =	sdelay $0x2  }
0x91: {  	s4 =	simm.s32 $0xA;
	s5 =	simm.s32 $0x10;
	s16 =	sld [smem:$0x3FC9]  }
0x92: {  	[smem:s5], [sflag:s4] =	dma.local [hbm:s2], $0x1  }
0x93: {  	_ =	swait.eq [sflag:s4], $0x1  }
0x94: {  	[sflag:s4] =	ssyncset.done $0x0  }
0x95: {  	s17 =	sld [smem:$0x10];
	[sflag:s4] =	ssyncadd.s32 $0xFFFFFFFF  }
0x96: {  	s18 =	sld [smem:$0x11];
	(tm) =	ssettm $0x1  }
0x97: {  	s19 =	sld [smem:$0x3FFB];
	_ =	sdelay $0x3  }
0x98: {  	_ =	strace s19  }
0x99: {  	s5 =	sld [smem:$0x3FFC];
	_ =	sdelay $0x3  }
0x9a: {  	_ =	strace s5  }
0x9b: {  	s5 =	sld [smem:$0x3FFD];
	_ =	sdelay $0x3  }
0x9c: {  	_ =	strace s5  }
0x9d: {  	_ =	strace $0x8FFFFFFF  }
0x9e: {  	s20 =	sld [smem:$0x3FDB];
	_ =	sdelay $0x1  }
0x9f: {  	s6 =	simm.s32 $_scs_section_size  }
0xa0: {  	s7 =	simm.s32 $_size__tile_overlayer_lowered;
	s8 =	simm.s32 $_tile_overlayer_lowered  }
0xa1: {  	s23 =	simm.s32 $0x1BFF;
	s22 =	sshll.u32 s8, $0x1;
	s5 =	sadd.s32 s6, s20  }
0xa2: {  	s9 =	simm.s32 $0x0;
	s21 =	sshll.u32 s7, $0x1;
	s7 =	sadd.s32 s22, s5  }
0xa3: {  	[timem:s9], [sflag:s23] =	dma.local [hbm:s7], s21  }
0xa4: {  	_ =	swait.ge [sflag:s23], s21  }
0xa5: {  	s6 =	ssub.s32 $0x0, s21;
	[sflag:s23] =	ssyncset.done $0x0  }
0xa6: {  	[sflag:s23] =	ssyncadd.s32 s6;
	_ =	sdelay $0x1  }
0xa7: {  	s24 =	simm.s32 $0x1B8B  }
0xa8: {  	_ =	swait.ge [sflag:s24], $0x1  }
0xa9: {  	[sflag:s24] =	ssyncset.done $0x0  }
0xaa: {  	s25 =	simm.s32 $0x1B8E;
	[sflag:s24] =	ssyncadd.s32 $0xFFFFFFFF  }
0xab: {  	s26 =	simm.s32 $execute0_lowered;
	[smem:$0x3FD2] =	sst s25  }
0xac: {  	s6 =	sshll.u32 s26, $0x1;
	_ =	strace $0x80000046;
	[dreg:$0x1] =	wrdreg $0xFFFFFFFF  }
0xad: {  	s28 =	simm.s32 $_size_execute0_lowered;
	s5 =	sadd.s32 s5, s6;
	[dreg:$0x0] =	wrdreg $0x0  }
0xae: {  	s6 =	sshll.u32 s28, $0x1;
	[dreg:$0x2] =	wrdreg s5  }
0xaf: {  	[dreg:$0x3] =	wrdreg s6  }
0xb0: {  	[dreg:$0x4] =	wrdreg $0xC0  }
0xb1: {  	_ =	task [dreg:s9], $0x5FFFF  }
0xb2: {  	[dreg:$0x1] =	wrdreg $0xFFFFFFFF  }
0xb3: {  	[dreg:$0x0] =	wrdreg $0x60  }
0xb4: {  	[dreg:$0x2] =	wrdreg s16  }
0xb5: {  	[dreg:$0x3] =	wrdreg s17  }
0xb6: {  	[dreg:$0x4] =	wrdreg s18  }
0xb7: {  	[dreg:$0x5] =	wrdreg $0x9  }
0xb8: {  	_ =	task.clear_ibuf [dreg:s9], $0x6FFFF;
	_ =	strace $0x90000046  }
0xb9: {  	s29 =	simm.s32 $0x9;
	_ =	strace $0x80000048  }
0xba: {  	_ =	swait.ge [sflag:s29], $0x1  }
0xbb: {  	[sflag:s29] =	ssyncadd.s32 $0xFFFFFFFF  }
0xbc: {  	_ =	strace $0x90000048  }
0xbd: {  	_ =	sfence  }
0xbe: {  	s30 =	sld [smem:$0x0];
	_ =	sdelay $0x2  }
0xbf: {  	s31 =	sshll.u32 s1, $0xD;
	s1 =	sshrl.u32 s1, $0x2  }
0xc0: {  	s3 =	sand.u32 $0x4000, s31;
	s1 =	sadd.s32 s1, s30  }
0xc1: {  	s0 =	sor.u32 s3, s0;
	s1 =	sshll.u32 s1, $0x11  }
0xc2: {  	s0 =	sor.u32 s1, s0  }
0xc3: {  	s0 =	sadd.s32 $0x8F2B, s0  }
0xc4: {  	[sflag:s0] =	ssyncadd.remote.s32 $0x1  }
0xc5: {  	_ =	sfence.sel $0xFFFF  }
0xc6: {  	[dreg:$0x0] =	wrdreg $0xFFFFFFFF;
	(pc) =	sbr.abs _section_cstart, $3  }
0xc7: {  	[dreg:$0x1] =	wrdreg $0xFFFFFFFF  }
0xc8: {  	_ =	task.clear_ibuf [dreg:s9], $0x2FFFF;
	_ =	strace $0x9FFFFFFF  }
0xc9: {  	(tm) =	ssettm $0x7FFFFFFF  }
tec
execute0_lowered:
.L_overlay_start_1:
0x0: {  	(tag) =	ssettag $0x1  }
0x1: {  	s0 =	rddreg [dreg:$0x0]  }
0x2: {  	s1 =	rddreg [dreg:$0x1];
	s3 =	simm.s32 $0x0;
	s2 =	srdreg.scid  }
0x3: {  	s8 =	stileid.u32;
	[smem:$0x7FF] =	sst s3  }
0x4: {  	s2 =	sand.u32 $0x1, s2;
	s5 =	sshll.u32 s8, $0x4;
	s7 =	sshll.u32 s8, $0x7  }
0x5: {  	s25 =	sshll.u32 s8, $0x12;
	s29 =	sshll.u32 s8, $0xF;
	_ =	strace $0x80000047  }
0x6: {  	s4 =	ssub.s32 $0x2, s2;
	s5 =	sand.u32 $0x70, s5;
	s23 =	sand.u32 $0x400, s7  }
0x7: {  	s24 =	sxor.u32 $0x1, s2;
	s28 =	sadd.s32 $0xFFE00000, s25;
	s6 =	sshrl.u32 s4, $0x1  }
0x8: {  	s0 =	sadd.s32 s0, s5;
	[dreg:$0x8] =	wrdreg s28;
	s5 =	sadd.s32 s1, s29  }
0x9: {  	s26 =	sshll.u32 s24, $0x8;
	s30 =	sshll.u32 s24, $0x11;
	[dreg:$0x9] =	wrdreg s5  }
0xa: {  	s4 =	ssub.s32 s4, s6;
	s0 =	sadd.s32 s23, s0;
	[dreg:$0x7] =	wrdreg s26  }
0xb: {  	s1 =	ssub.s32 s25, s30;
	s31 =	sxor.u32 $0x3DF, s26;
	[dreg:$0x6] =	wrdreg s0  }
0xc: {  	s0 =	sshll.u32 s24, $0xE;
	s4 =	smax.u32 s4, $0x1;
	[dreg:$0xd] =	wrdreg s31  }
0xd: {  	s1 =	sadd.s32 $0xFFDF0000, s1;
	[dreg:$0xa] =	wrdreg s4;
	s0 =	ssub.s32 s5, s0  }
0xe: {  	v0 =	vlaneseq.u32;
	[dreg:$0xb] =	wrdreg s1;
	s0 =	sadd.s32 $0xFFFFE000, s0  }
0xf: {  	v0 =	vmul.u32 $0xFFFFFFFF, v0;
	p0 =	sgt.u32 s8, $0x7;
	s2 =	simm.s32 $0x0;
	[dreg:$0xc] =	wrdreg s0  }
.LBB2_1:
0x10: {  	[dreg:$0xe] =	wrdreg s2  }
0x11: {  	s0 =	rddreg [dreg:$0x6]  }
0x12: {  	s1 =	simm.s32 $0x80;
	s30 =	simm.s32 $0x400;
	s31 =	simm.s32 $0x2  }
0x13: {  	[tilespmem:s3], [sflag:$0x2] =	stream.strided.gather [hbm4b:s0+s1], $0x400, s30, s1, $0x38;
	[tilespmem:$0x14400] =	vst v63  }
0x14: {  	_ =	swait.ge [sflag:s31], $0x400  }
0x15: {  	[sflag:s31] =	ssyncset.done $0x0  }
0x16: {  	s7 =	simm.s32 $0x0;
	s6 =	rddreg [dreg:$0xd];
	[sflag:s31] =	ssyncadd.s32 $0xFFFFFC00  }
.LBB2_2:
0x17: {  	s0 =	sadd.s32 $0x10, s6  }
0x18: {  	v1 =	vadd.s32 s0, v0  }
0x19: {  	vm0 =	vgt.s32 v1, $0x0  }
0x1a: {  	v1 =	vnsel vm0, $0x0, v1  }
0x1b: {  	v1 =	vmin.u32 v1, $0x3FE  }
0x1c: {  	v2 =	vadd.s32 s6, v0  }
0x1d: {  	s20 =	sadd.s32 $0x11, s6;
	vm5 =	vgt.s32 v2, $0x0  }
0x1e: {  	v3 =	vadd.s32 s20, v0;
	v2 =	vnsel vm5, $0x0, v2  }
0x1f: {  	[dreg:$0x10] =	wrdreg s7;
	s21 =	smul.u32 $0xA000, s7;
	vm6 =	vgt.s32 v3, $0x0;
	v2 =	vmin.u32 v2, $0x3FE  }
0x20: {  	v3 =	vnsel vm6, $0x0, v3;
	v1 =	vld.idx.msk [tilespmem:v1+s3+$0x0], $0xffff  }
0x21: {  	s22 =	simm.s32 $0x0;
	s1 =	sadd.s32 $0x1, s6;
	s7 =	sshra.s32 s21, $0x2;
	v3 =	vmin.u32 v3, $0x3FE  }
0x22: {  	v4 =	vadd.s32 s1, v0;
	s17 =	sand.u32 $0x1C00, s22;
	s5 =	sor.u32 $0x400, s7  }
0x23: {  	s24 =	sadd.s32 $0x12, s6;
	s12 =	sand.u32 $0x60, s22;
	vm7 =	vgt.s32 v4, $0x0;
	s23 =	sadd.s32 s17, s5  }
0x24: {  	v6 =	vadd.s32 s24, v0;
	v4 =	vnsel vm7, $0x0, v4;
	s8 =	sadd.s32 s12, s23;
	v2 =	vld.idx.msk [tilespmem:v2+s3+$0x0], $0xffff  }
0x25: {  	s2 =	sadd.s32 $0x2, s6;
	vm1 =	vgt.s32 v6, $0x0;
	v4 =	vmin.u32 v4, $0x3FE;
	[tilespmem:s8+$0x0] =	vst v1  }
0x26: {  	s26 =	sadd.s32 $0x4, s6;
	v5 =	vadd.s32 s2, v0;
	v6 =	vnsel vm1, $0x0, v6;
	v3 =	vld.idx.msk [tilespmem:v3+s3+$0x0], $0xffff  }
0x27: {  	s25 =	sadd.s32 $0x3, s6;
	s4 =	sadd.s32 $0x5, s6;
	v7 =	vadd.s32 s26, v0;
	vm8 =	vgt.s32 v5, $0x0;
	s13 =	sor.u32 $0x10, s12;
	v6 =	vmin.u32 v6, $0x3FE  }
0x28: {  	s9 =	sadd.s32 $0x13, s6;
	v8 =	vadd.s32 s4, v0;
	s4 =	sadd.s32 s13, s23;
	v1 =	vnsel vm8, $0x0, v5;
	v5 =	vadd.s32 s25, v0  }
0x29: {  	vm10 =	vgt.s32 v7, $0x0;
	[tilespmem:s4+$0x0] =	vst v2;
	v2 =	vadd.s32 s9, v0;
	vm9 =	vgt.s32 v5, $0x0  }
0x2a: {  	vm11 =	vgt.s32 v8, $0x0;
	v4 =	vld.idx.msk [tilespmem:v4+s3+$0x0], $0xffff;
	vm12 =	vgt.s32 v2, $0x0;
	v5 =	vnsel vm9, $0x0, v5  }
0x2b: {  	v1 =	vmin.u32 v1, $0x3FE;
	v10 =	vmin.u32 v5, $0x3FE;
	v5 =	vnsel vm10, $0x0, v7;
	[tilespmem:s8+$0x80] =	vst v3  }
0x2c: {  	v2 =	vnsel vm12, $0x0, v2;
	v12 =	vmin.u32 v5, $0x3FE;
	v5 =	vnsel vm11, $0x0, v8;
	v8 =	vld.idx.msk [tilespmem:v6+s3+$0x0], $0xffff  }
0x2d: {  	s22 =	sadd.s32 $0x15, s6;
	s24 =	sadd.s32 $0xF, s6;
	v2 =	vmin.u32 v2, $0x3FE  }
0x2e: {  	s10 =	sadd.s32 $0x6, s6;
	v11 =	vadd.s32 s22, v0;
	v16 =	vadd.s32 s24, v0;
	s9 =	sadd.s32 $0x17, s6  }
0x2f: {  	s16 =	sadd.s32 $0x14, s6;
	v19 =	vadd.s32 s9, v0;
	vm12 =	vgt.s32 v16, $0x0;
	v7 =	vadd.s32 s10, v0;
	[tilespmem:s4+$0x80] =	vst v4  }
0x30: {  	vm9 =	vgt.s32 v11, $0x0;
	vm13 =	vgt.s32 v7, $0x0;
	v4 =	vadd.s32 s16, v0;
	v1 =	vld.idx.msk [tilespmem:v1+s3+$0x0], $0xffff  }
0x31: {  	s11 =	sadd.s32 $0x7, s6;
	v13 =	vmin.u32 v5, $0x3FE;
	v5 =	vnsel vm13, $0x0, v7;
	vm5 =	vgt.s32 v4, $0x0;
	[tilespmem:s8+$0x100] =	vst v8  }
0x32: {  	s14 =	sadd.s32 $0x8, s6;
	v3 =	vadd.s32 s11, v0;
	v14 =	vmin.u32 v5, $0x3FE;
	v4 =	vnsel vm5, $0x0, v4;
	v2 =	vld.idx.msk [tilespmem:v2+s3+$0x0], $0xffff  }
0x33: {  	s15 =	sadd.s32 $0x9, s6;
	v5 =	vadd.s32 s14, v0;
	vm14 =	vgt.s32 v3, $0x0;
	v8 =	vmin.u32 v4, $0x3FE  }
0x34: {  	v7 =	vadd.s32 s15, v0;
	vm15 =	vgt.s32 v5, $0x0;
	v3 =	vnsel vm14, $0x0, v3  }
0x35: {  	s18 =	sadd.s32 $0xA, s6;
	vm4 =	vgt.s32 v7, $0x0;
	v6 =	vmin.u32 v3, $0x3FE;
	v3 =	vnsel vm15, $0x0, v5;
	[tilespmem:s4+$0x100] =	vst v1  }
0x36: {  	s16 =	sadd.s32 $0x18, s6;
	v5 =	vadd.s32 s18, v0;
	v9 =	vmin.u32 v3, $0x3FE;
	v3 =	vnsel vm4, $0x0, v7;
	v10 =	vld.idx.msk [tilespmem:v10+s3+$0x0], $0xffff  }
0x37: {  	s21 =	sadd.s32 $0xD, s6;
	v22 =	vadd.s32 s16, v0;
	vm6 =	vgt.s32 v5, $0x0;
	v7 =	vmin.u32 v3, $0x3FE;
	[tilespmem:s8+$0x180] =	vst v2  }
0x38: {  	s19 =	sadd.s32 $0xB, s6;
	v3 =	vnsel vm6, $0x0, v5;
	v1 =	vadd.s32 s21, v0;
	v2 =	vnsel vm9, $0x0, v11;
	v8 =	vld.idx.msk [tilespmem:v8+s3+$0x0], $0xffff  }
0x39: {  	s20 =	sadd.s32 $0xC, s6;
	vm6 =	vgt.s32 v19, $0x0;
	v4 =	vadd.s32 s19, v0;
	v15 =	vmin.u32 v2, $0x3FE  }
0x3a: {  	s23 =	sadd.s32 $0xE, s6;
	s25 =	sadd.s32 $0x16, s6;
	s21 =	sadd.s32 $0xFFFFFFE0, s6;
	v5 =	vmin.u32 v3, $0x3FE;
	v3 =	vadd.s32 s20, v0;
	vm10 =	vgt.s32 v1, $0x0  }
0x3b: {  	v17 =	vadd.s32 s21, v0;
	[tilespmem:s4+$0x180] =	vst v10;
	v10 =	vadd.s32 s25, v0;
	v11 =	vadd.s32 s23, v0  }
0x3c: {  	v1 =	vnsel vm10, $0x0, v1;
	vm13 =	vgt.s32 v10, $0x0;
	vm11 =	vgt.s32 v11, $0x0  }
0x3d: {  	s26 =	sadd.s32 $0x10, s21;
	v12 =	vld.idx.msk [tilespmem:v12+s3+$0x0], $0xffff;
	v2 =	vmin.u32 v1, $0x3FE;
	v10 =	vnsel vm13, $0x0, v10;
	v11 =	vnsel vm11, $0x0, v11;
	[tilespmem:s8+$0x200] =	vst v8  }
0x3e: {  	v1 =	vmin.u32 v11, $0x3FE;
	v11 =	vnsel vm12, $0x0, v16;
	v16 =	vadd.s32 s26, v0;
	v8 =	vld.idx.msk [tilespmem:v15+s3+$0x0], $0xffff  }
0x3f: {  	vm7 =	vgt.s32 v4, $0x0;
	v10 =	vmin.u32 v10, $0x3FE;
	vm14 =	vgt.s32 v16, $0x0  }
0x40: {  	s2 =	sadd.s32 $0x2, s21;
	s14 =	sadd.s32 $0x4, s21;
	vm8 =	vgt.s32 v3, $0x0;
	vm15 =	vgt.s32 v17, $0x0;
	v15 =	vnsel vm14, $0x0, v16  }
0x41: {  	s15 =	sadd.s32 $0x5, s21;
	s18 =	sadd.s32 $0x12, s21;
	v18 =	vadd.s32 s2, v0;
	v20 =	vadd.s32 s14, v0;
	v15 =	vmin.u32 v15, $0x3FE  }
0x42: {  	v21 =	vadd.s32 s15, v0;
	v23 =	vadd.s32 s18, v0;
	[tilespmem:s4+$0x200] =	vst v12;
	v16 =	vnsel vm15, $0x0, v17  }
0x43: {  	s10 =	sadd.s32 $0x11, s21;
	v4 =	vnsel vm7, $0x0, v4;
	v3 =	vnsel vm8, $0x0, v3;
	v13 =	vld.idx.msk [tilespmem:v13+s3+$0x0], $0xffff;
	v16 =	vmin.u32 v16, $0x3FE;
	[tilespmem:s8+$0x280] =	vst v8  }
0x44: {  	vm5 =	vgt.s32 v18, $0x0;
	vm8 =	vgt.s32 v20, $0x0;
	v12 =	vadd.s32 s10, v0;
	v10 =	vld.idx.msk [tilespmem:v10+s3+$0x0], $0xffff  }
0x45: {  	s1 =	sadd.s32 $0x1, s21;
	vm10 =	vgt.s32 v23, $0x0;
	vm2 =	vgt.s32 v12, $0x0;
	v8 =	vnsel vm6, $0x0, v19  }
0x46: {  	s18 =	sadd.s32 $0xD, s21;
	v17 =	vadd.s32 s1, v0;
	v12 =	vnsel vm2, $0x0, v12;
	v8 =	vmin.u32 v8, $0x3FE;
	v15 =	vld.idx.msk [tilespmem:v15+s3+$0x0], $0xffff  }
0x47: {  	s31 =	simm.s32 $0x100;
	v25 =	vadd.s32 s18, v0;
	vm4 =	vgt.s32 v17, $0x0;
	v12 =	vmin.u32 v12, $0x3FE  }
0x48: {  	s0 =	simm.s32 $0x20;
	v4 =	vmin.u32 v4, $0x3FE;
	v3 =	vmin.u32 v3, $0x3FE;
	s25 =	sand.u32 $0x1C00, s31;
	v17 =	vnsel vm4, $0x0, v17;
	[tilespmem:s4+$0x280] =	vst v13;
	v16 =	vld.idx.msk [tilespmem:v16+s3+$0x0], $0xffff  }
0x49: {  	v18 =	vnsel vm5, $0x0, v18;
	v20 =	vnsel vm8, $0x0, v20;
	s20 =	sadd.s32 s25, s5;
	s26 =	sand.u32 $0x60, s0;
	v17 =	vmin.u32 v17, $0x3FE;
	[tilespmem:s8+$0x300] =	vst v10  }
0x4a: {  	s11 =	sadd.s32 $0x3, s21;
	v18 =	vmin.u32 v18, $0x3FE;
	vm9 =	vgt.s32 v22, $0x0;
	vm11 =	vgt.s32 v21, $0x0;
	s30 =	sadd.s32 s26, s20;
	v14 =	vld.idx.msk [tilespmem:v14+s3+$0x0], $0xffff;
	[dreg:$0x4] =	wrdreg s5  }
0x4b: {  	s28 =	sor.u32 $0x10, s26;
	v13 =	vnsel vm10, $0x0, v23;
	v19 =	vadd.s32 s11, v0;
	v10 =	vnsel vm9, $0x0, v22;
	v8 =	vld.idx.msk [tilespmem:v8+s3+$0x0], $0xffff;
	[tilespmem:s30+$0x0] =	vst v15  }
0x4c: {  	s22 =	sadd.s32 $0x7, s21;
	s29 =	sadd.s32 s28, s20;
	v22 =	vmin.u32 v13, $0x3FE;
	v13 =	vnsel vm11, $0x0, v21;
	v10 =	vmin.u32 v10, $0x3FE;
	v21 =	vld.idx.msk [tilespmem:v12+s3+$0x0], $0xffff  }
0x4d: {  	s19 =	sadd.s32 $0x6, s21;
	v23 =	vmin.u32 v20, $0x3FE;
	v20 =	vadd.s32 s22, v0;
	vm7 =	vgt.s32 v19, $0x0;
	[tilespmem:s29+$0x0] =	vst v16  }
0x4e: {  	s23 =	sadd.s32 $0x19, s6;
	vm15 =	vgt.s32 v20, $0x0;
	v19 =	vnsel vm7, $0x0, v19;
	v15 =	vadd.s32 s19, v0;
	v17 =	vld.idx.msk [tilespmem:v17+s3+$0x0], $0xffff  }
0x4f: {  	s24 =	sadd.s32 $0x13, s21;
	v19 =	vmin.u32 v19, $0x3FE;
	[tilespmem:s4+$0x300] =	vst v14;
	vm12 =	vgt.s32 v15, $0x0;
	v12 =	vadd.s32 s23, v0  }
0x50: {  	v16 =	vadd.s32 s24, v0;
	v6 =	vld.idx.msk [tilespmem:v6+s3+$0x0], $0xffff;
	v14 =	vnsel vm12, $0x0, v15;
	vm13 =	vgt.s32 v12, $0x0;
	[tilespmem:s8+$0x380] =	vst v8  }
0x51: {  	s5 =	sadd.s32 $0x9, s21;
	vm14 =	vgt.s32 v16, $0x0;
	v8 =	vnsel vm13, $0x0, v12;
	v12 =	vmin.u32 v14, $0x3FE;
	v14 =	vld.idx.msk [tilespmem:v10+s3+$0x0], $0xffff;
	[tilespmem:s30+$0x80] =	vst v21  }
0x52: {  	v24 =	vadd.s32 s5, v0;
	v15 =	vnsel vm14, $0x0, v16;
	v16 =	vmin.u32 v8, $0x3FE;
	[dreg:$0x11] =	wrdreg s7  }
0x53: {  	s2 =	sadd.s32 $0x8, s21;
	v13 =	vmin.u32 v13, $0x3FE;
	vm5 =	vgt.s32 v24, $0x0;
	v15 =	vmin.u32 v15, $0x3FE;
	s8 =	sadd.s32 $0x1800, s7;
	[tilespmem:s29+$0x80] =	vst v17  }
0x54: {  	s9 =	sadd.s32 $0x1A, s6;
	vm13 =	vgt.s32 v25, $0x0;
	v8 =	vadd.s32 s2, v0;
	v10 =	vnsel vm15, $0x0, v20;
	s1 =	sadd.s32 s17, s8;
	v20 =	vld.idx.msk [tilespmem:v22+s3+$0x0], $0xffff;
	[dreg:$0x5] =	wrdreg s8  }
0x55: {  	v21 =	vadd.s32 s9, v0;
	v25 =	vnsel vm13, $0x0, v25;
	vm4 =	vgt.s32 v8, $0x0;
	s23 =	sadd.s32 s12, s1;
	[tilespmem:s4+$0x380] =	vst v6;
	v18 =	vld.idx.msk [tilespmem:v18+s3+$0x0], $0xffff  }
0x56: {  	s10 =	sadd.s32 $0x14, s21;
	v10 =	vmin.u32 v10, $0x3FE;
	vm6 =	vgt.s32 v21, $0x0;
	v17 =	vnsel vm5, $0x0, v24;
	v9 =	vld.idx.msk [tilespmem:v9+s3+$0x0], $0xffff;
	[tilespmem:s23+$0x0] =	vst v14  }
0x57: {  	v22 =	vadd.s32 s10, v0;
	v6 =	vmin.u32 v17, $0x3FE;
	v17 =	vnsel vm6, $0x0, v21;
	v16 =	vld.idx.msk [tilespmem:v16+s3+$0x0], $0xffff  }
0x58: {  	s11 =	sadd.s32 $0xA, s21;
	v8 =	vnsel vm4, $0x0, v8;
	vm7 =	vgt.s32 v22, $0x0;
	v17 =	vmin.u32 v17, $0x3FE  }
0x59: {  	s14 =	sadd.s32 $0xB, s21;
	v8 =	vmin.u32 v8, $0x3FE;
	v21 =	vnsel vm7, $0x0, v22;
	v14 =	vadd.s32 s11, v0;
	[tilespmem:s30+$0x100] =	vst v20  }
0x5a: {  	s15 =	sadd.s32 $0xC, s21;
	s24 =	sadd.s32 s13, s1;
	v22 =	vadd.s32 s14, v0;
	v21 =	vmin.u32 v21, $0x3FE;
	vm8 =	vgt.s32 v14, $0x0;
	v63 =	vld.idx.msk [tilespmem:v15+s3+$0x0], $0xffff;
	[tilespmem:s29+$0x100] =	vst v18  }
0x5b: {  	s17 =	sadd.s32 $0x15, s21;
	vm9 =	vgt.s32 v22, $0x0;
	v14 =	vnsel vm8, $0x0, v14;
	v20 =	vadd.s32 s15, v0;
	v19 =	vld.idx.msk [tilespmem:v19+s3+$0x0], $0xffff;
	[tilespmem:s24+$0x0] =	vst v9  }
0x5c: {  	s16 =	sadd.s32 $0x1B, s6;
	v15 =	vnsel vm9, $0x0, v22;
	vm10 =	vgt.s32 v20, $0x0;
	v22 =	vadd.s32 s17, v0;
	v7 =	vld.idx.msk [tilespmem:v7+s3+$0x0], $0xffff;
	[tilespmem:s23+$0x80] =	vst v16  }
0x5d: {  	v18 =	vadd.s32 s16, v0;
	v20 =	vnsel vm10, $0x0, v20;
	vm12 =	vgt.s32 v22, $0x0;
	v26 =	vld.idx.msk [tilespmem:v17+s3+$0x0], $0xffff  }
0x5e: {  	vm11 =	vgt.s32 v18, $0x0;
	v9 =	vmin.u32 v14, $0x3FE;
	v14 =	vnsel vm12, $0x0, v22  }
0x5f: {  	s19 =	sadd.s32 $0xE, s21;
	v18 =	vnsel vm11, $0x0, v18;
	v16 =	vmin.u32 v15, $0x3FE;
	v15 =	vmin.u32 v20, $0x3FE;
	[tilespmem:s30+$0x180] =	vst v63  }
0x60: {  	s20 =	sadd.s32 $0xF, s21;
	v20 =	vmin.u32 v14, $0x3FE;
	v17 =	vmin.u32 v18, $0x3FE;
	v18 =	vadd.s32 s19, v0;
	[tilespmem:s29+$0x180] =	vst v19  }
0x61: {  	v14 =	vmin.u32 v25, $0x3FE;
	vm14 =	vgt.s32 v18, $0x0;
	v22 =	vld.idx.msk [tilespmem:v21+s3+$0x0], $0xffff;
	v19 =	vadd.s32 s20, v0;
	[tilespmem:s24+$0x80] =	vst v7  }
0x62: {  	s22 =	sadd.s32 $0x1C, s6;
	s12 =	simm.s32 $0x2;
	s1 =	sadd.s32 $0x16, s21;
	v21 =	vld.idx.msk [tilespmem:v23+s3+$0x0], $0xffff;
	v7 =	vmin.u32 v11, $0x3FE;
	v11 =	vnsel vm14, $0x0, v18;
	vm15 =	vgt.s32 v19, $0x0;
	[tilespmem:s23+$0x100] =	vst v26  }
0x63: {  	s13 =	sadd.s32 $0xFFFFFFE0, s21;
	s17 =	smov.u32 s6;
	v18 =	vld.idx.msk [tilespmem:v5+s3+$0x0], $0xffff;
	v11 =	vmin.u32 v11, $0x3FE;
	v5 =	vnsel vm15, $0x0, v19;
	v19 =	vadd.s32 s22, v0;
	[dreg:$0xf] =	wrdreg s6  }
.LBB2_3:
0x64: {  	_ =	sdelay $0x1  }
0x65: {  	[tilespmem:s30+$0x200] =	vst v22  }
0x66: {  	s2 =	sadd.s32 $0x10, s13;
	vm0 =	vgt.s32 v19, $0x0;
	v22 =	vadd.s32 s1, v0;
	v17 =	vld.idx.msk [tilespmem:v17+s3+$0x0], $0xffff  }
0x67: {  	v24 =	vadd.s32 s2, v0;
	v19 =	vnsel vm0, $0x0, v19;
	v20 =	vld.idx.msk [tilespmem:v20+s3+$0x0], $0xffff;
	vm1 =	vgt.s32 v22, $0x0  }
0x68: {  	[tilespmem:s29+$0x200] =	vst v21;
	vm11 =	vgt.s32 v24, $0x0;
	v19 =	vmin.u32 v19, $0x3FE;
	v21 =	vnsel vm1, $0x0, v22  }
0x69: {  	v23 =	vadd.s32 s13, v0;
	v13 =	vld.idx.msk [tilespmem:v13+s3+$0x0], $0xffff;
	[tilespmem:s24+$0x100] =	vst v18;
	v18 =	vnsel vm11, $0x0, v24;
	v21 =	vmin.u32 v21, $0x3FE  }
0x6a: {  	vm12 =	vgt.s32 v23, $0x0;
	v22 =	vld.idx.msk [tilespmem:v4+s3+$0x0], $0xffff;
	v4 =	vmov v16;
	v16 =	vmin.u32 v18, $0x3FE  }
0x6b: {  	s8 =	sadd.s32 $0x2, s13;
	s10 =	sadd.s32 $0x1D, s17;
	v18 =	vnsel vm12, $0x0, v23;
	[tilespmem:s23+$0x180] =	vst v17  }
0x6c: {  	s11 =	sadd.s32 $0x17, s21;
	s22 =	sadd.s32 $0x11, s13;
	v54 =	vadd.s32 s8, v0;
	v18 =	vmin.u32 v18, $0x3FE;
	v17 =	vadd.s32 s10, v0;
	[tilespmem:s30+$0x280] =	vst v20  }
0x6d: {  	v25 =	vadd.s32 s22, v0;
	v20 =	vadd.s32 s11, v0;
	vm15 =	vgt.s32 v17, $0x0;
	v19 =	vld.idx.msk [tilespmem:v19+s3+$0x0], $0xffff  }
0x6e: {  	s4 =	sadd.s32 $0x1, s13;
	vm4 =	vgt.s32 v25, $0x0;
	[tilespmem:s29+$0x280] =	vst v13;
	v21 =	vld.idx.msk [tilespmem:v21+s3+$0x0], $0xffff;
	vm2 =	vgt.s32 v20, $0x0;
	v13 =	vnsel vm15, $0x0, v17  }
0x6f: {  	s7 =	sadd.s32 $0x3, s13;
	s19 =	sadd.s32 $0x4, s13;
	v23 =	vadd.s32 s4, v0;
	v16 =	vld.idx.msk [tilespmem:v16+s3+$0x0], $0xffff;
	v17 =	vnsel vm2, $0x0, v20;
	v13 =	vmin.u32 v13, $0x3FE  }
0x70: {  	s18 =	sadd.s32 $0x5, s13;
	s9 =	sadd.s32 $0x7, s13;
	s31 =	sadd.s32 $0x100, s31;
	vm13 =	vgt.s32 v23, $0x0;
	[tilespmem:s24+$0x180] =	vst v22;
	v20 =	vnsel vm4, $0x0, v25;
	v17 =	vmin.u32 v17, $0x3FE  }
0x71: {  	s0 =	sadd.s32 $0x20, s0;
	v55 =	vadd.s32 s7, v0;
	s22 =	rddreg [dreg:$0x4];
	v23 =	vnsel vm13, $0x0, v23;
	s10 =	sand.u32 $0x1C00, s31;
	v18 =	vld.idx.msk [tilespmem:v18+s3+$0x0], $0xffff;
	v20 =	vmin.u32 v20, $0x3FE  }
0x72: {  	s14 =	sadd.s32 $0xD, s13;
	v56 =	vadd.s32 s19, v0;
	v26 =	vadd.s32 s18, v0;
	s7 =	sand.u32 $0x60, s0;
	v23 =	vmin.u32 v23, $0x3FE;
	s18 =	sadd.s32 s10, s22;
	v12 =	vld.idx.msk [tilespmem:v12+s3+$0x0], $0xffff;
	[tilespmem:s23+$0x200] =	vst v19  }
0x73: {  	s19 =	sadd.s32 $0x1E, s17;
	v58 =	vadd.s32 s9, v0;
	v61 =	vadd.s32 s14, v0;
	vm14 =	vgt.s32 v54, $0x0;
	v27 =	vld.idx.msk [tilespmem:v3+s3+$0x0], $0xffff;
	s11 =	sadd.s32 s7, s18;
	[tilespmem:s30+$0x300] =	vst v21  }
0x74: {  	s20 =	sadd.s32 $0x18, s21;
	vm5 =	vgt.s32 v55, $0x0;
	vm6 =	vgt.s32 v56, $0x0;
	v19 =	vadd.s32 s19, v0;
	s19 =	sor.u32 $0x10, s7;
	v57 =	vld.idx.msk [tilespmem:v13+s3+$0x0], $0xffff;
	[tilespmem:s11+$0x0] =	vst v16  }
0x75: {  	vm10 =	vgt.s32 v26, $0x0;
	v21 =	vadd.s32 s20, v0;
	vm7 =	vgt.s32 v19, $0x0;
	s18 =	sadd.s32 s19, s18;
	v16 =	vld.idx.msk [tilespmem:v17+s3+$0x0], $0xffff  }
0x76: {  	v22 =	vnsel vm14, $0x0, v54;
	s22 =	sadd.s32 $0x12, s13;
	vm8 =	vgt.s32 v21, $0x0;
	[tilespmem:s18+$0x0] =	vst v18;
	v17 =	vnsel vm7, $0x0, v19;
	v19 =	vld.idx.msk [tilespmem:v20+s3+$0x0], $0xffff  }
0x77: {  	s1 =	sadd.s32 $0x9, s13;
	v13 =	vadd.s32 s22, v0;
	v18 =	vnsel vm8, $0x0, v21;
	v21 =	vld.idx.msk [tilespmem:v23+s3+$0x0], $0xffff;
	v20 =	vmin.u32 v17, $0x3FE  }
0x78: {  	v60 =	vadd.s32 s1, v0;
	v22 =	vmin.u32 v22, $0x3FE;
	vm9 =	vgt.s32 v13, $0x0;
	[tilespmem:s29+$0x300] =	vst v12  }
0x79: {  	v3 =	vmovc v15;
	v15 =	vnsel vm5, $0x0, v55;
	v13 =	vnsel vm9, $0x0, v13;
	v18 =	vmin.u32 v18, $0x3FE;
	v10 =	vld.idx.msk [tilespmem:v10+s3+$0x0], $0xffff;
	[tilespmem:s24+$0x200] =	vst v27  }
0x7a: {  	s6 =	sadd.s32 $0x6, s13;
	vm15 =	vgt.s32 v58, $0x0;
	vm5 =	vgt.s32 v60, $0x0;
	v12 =	vmin.u32 v13, $0x3FE;
	[tilespmem:s23+$0x280] =	vst v57  }
0x7b: {  	s9 =	sadd.s32 $0x1F, s17;
	s17 =	smov.u32 s21;
	v15 =	vmin.u32 v15, $0x3FE;
	v23 =	vadd.s32 s6, v0;
	v17 =	vnsel vm6, $0x0, v56;
	v59 =	vld.idx.msk [tilespmem:v2+s3+$0x0], $0xffff;
	[tilespmem:s30+$0x380] =	vst v16  }
0x7c: {  	s20 =	sadd.s32 $0x19, s17;
	vm11 =	vgt.s32 v23, $0x0;
	v17 =	vmin.u32 v17, $0x3FE;
	v2 =	vmovc v14;
	v14 =	vadd.s32 s9, v0;
	s30 =	smov.u32 s11;
	[tilespmem:s18+$0x80] =	vst v21;
	v20 =	vld.idx.msk [tilespmem:v20+s3+$0x0], $0xffff  }
0x7d: {  	s22 =	sadd.s32 $0x13, s13;
	v23 =	vnsel vm11, $0x0, v23;
	s9 =	rddreg [dreg:$0x5];
	vm12 =	vgt.s32 v14, $0x0;
	v16 =	vadd.s32 s20, v0;
	[tilespmem:s30+$0x80] =	vst v19;
	v21 =	vld.idx.msk [tilespmem:v22+s3+$0x0], $0xffff  }
0x7e: {  	s1 =	sadd.s32 s25, s9;
	v14 =	vnsel vm12, $0x0, v14;
	v19 =	vadd.s32 s22, v0;
	vm13 =	vgt.s32 v16, $0x0;
	v18 =	vld.idx.msk [tilespmem:v18+s3+$0x0], $0xffff  }
0x7f: {  	s25 =	smov.u32 s10;
	s10 =	sadd.s32 s26, s1;
	v14 =	vmin.u32 v14, $0x3FE;
	[tilespmem:s29+$0x380] =	vst v10;
	v24 =	vld.idx.msk [tilespmem:v12+s3+$0x0], $0xffff;
	vm14 =	vgt.s32 v19, $0x0;
	v16 =	vnsel vm13, $0x0, v16  }
0x80: {  	s1 =	sadd.s32 s28, s1;
	s28 =	smov.u32 s19;
	s19 =	sadd.s32 $0x1B, s17;
	v12 =	vmin.u32 v23, $0x3FE;
	v23 =	vld.idx.msk [tilespmem:v8+s3+$0x0], $0xffff;
	[tilespmem:s24+$0x280] =	vst v59;
	v19 =	vnsel vm14, $0x0, v19;
	v16 =	vmin.u32 v16, $0x3FE  }
0x81: {  	s5 =	sadd.s32 $0x8, s13;
	v13 =	vnsel vm10, $0x0, v26;
	v62 =	vadd.s32 s19, v0;
	s29 =	smov.u32 s18;
	v19 =	vmin.u32 v19, $0x3FE;
	[tilespmem:s23+$0x300] =	vst v20  }
0x82: {  	v13 =	vmin.u32 v13, $0x3FE;
	v22 =	vadd.s32 s5, v0;
	vm11 =	vgt.s32 v62, $0x0;
	v26 =	vld.idx.msk [tilespmem:v1+s3+$0x0], $0xffff;
	[tilespmem:s29+$0x100] =	vst v21  }
0x83: {  	s11 =	sadd.s32 $0x1A, s17;
	v8 =	vnsel vm15, $0x0, v58;
	vm4 =	vgt.s32 v22, $0x0;
	vm13 =	vgt.s32 v61, $0x0;
	[tilespmem:s10+$0x0] =	vst v18;
	v21 =	vld.idx.msk [tilespmem:v15+s3+$0x0], $0xffff  }
0x84: {  	v10 =	vmin.u32 v8, $0x3FE;
	v8 =	vnsel vm4, $0x0, v22;
	v18 =	vadd.s32 s11, v0;
	v14 =	vld.idx.msk [tilespmem:v14+s3+$0x0], $0xffff;
	[tilespmem:s30+$0x100] =	vst v24  }
0x85: {  	s15 =	sadd.s32 $0xA, s13;
	s18 =	sadd.s32 $0x14, s13;
	v1 =	vmovc v11;
	v11 =	vnsel vm5, $0x0, v60;
	v8 =	vmin.u32 v8, $0x3FE;
	vm6 =	vgt.s32 v18, $0x0;
	v22 =	vld.idx.msk [tilespmem:v16+s3+$0x0], $0xffff  }
0x86: {  	v20 =	vadd.s32 s18, v0;
	[tilespmem:s1+$0x0] =	vst v23;
	v19 =	vld.idx.msk [tilespmem:v19+s3+$0x0], $0xffff;
	v16 =	vadd.s32 s15, v0;
	v18 =	vnsel vm6, $0x0, v18  }
0x87: {  	vm7 =	vgt.s32 v20, $0x0;
	v23 =	vld.idx.msk [tilespmem:v6+s3+$0x0], $0xffff;
	[tilespmem:s24+$0x300] =	vst v26;
	vm8 =	vgt.s32 v16, $0x0;
	v18 =	vmin.u32 v18, $0x3FE  }
0x88: {  	s16 =	sadd.s32 $0xB, s13;
	s2 =	sadd.s32 $0xC, s13;
	v11 =	vmin.u32 v11, $0x3FE;
	v20 =	vnsel vm7, $0x0, v20;
	v7 =	vld.idx.msk [tilespmem:v7+s3+$0x0], $0xffff;
	v15 =	vnsel vm8, $0x0, v16;
	[tilespmem:s29+$0x180] =	vst v21  }
0x89: {  	v6 =	vmovc v11;
	v16 =	vadd.s32 s16, v0;
	v11 =	vmin.u32 v15, $0x3FE;
	v15 =	vadd.s32 s2, v0;
	[tilespmem:s23+$0x380] =	vst v14;
	s23 =	smov.u32 s10  }
0x8a: {  	s20 =	sadd.s32 $0x15, s13;
	v20 =	vmin.u32 v20, $0x3FE;
	vm9 =	vgt.s32 v16, $0x0;
	vm10 =	vgt.s32 v15, $0x0;
	[tilespmem:s23+$0x80] =	vst v22  }
0x8b: {  	s12 =	sadd.s32 $0x2, s12;
	s4 =	sadd.s32 $0xF, s13;
	v16 =	vnsel vm9, $0x0, v16;
	v21 =	vld.idx.msk [tilespmem:v17+s3+$0x0], $0xffff;
	v14 =	vnsel vm10, $0x0, v15;
	[tilespmem:s30+$0x180] =	vst v19;
	v19 =	vadd.s32 s20, v0  }
0x8c: {  	p1 =	slt.u32 s12, $0x26;
	[tilespmem:s1+$0x80] =	vst v23;
	v23 =	vadd.s32 s4, v0;
	v15 =	vmin.u32 v14, $0x3FE;
	v63 =	vld.idx.msk [tilespmem:v18+s3+$0x0], $0xffff;
	vm12 =	vgt.s32 v19, $0x0  }
.Ltmp0:
0x8d: {  	s8 =	sadd.s32 $0xE, s13;
	v14 =	vnsel vm11, $0x0, v62;
	v18 =	vnsel vm12, $0x0, v19;
	v19 =	vnsel vm13, $0x0, v61;
	(pc) =	sbr.rel @p1 .LBB2_3-.Ltmp0, $4  }
0x8e: {  	v17 =	vmin.u32 v14, $0x3FE;
	v14 =	vmin.u32 v19, $0x3FE;
	v19 =	vadd.s32 s8, v0  }
0x8f: {  	v16 =	vmin.u32 v16, $0x3FE;
	vm15 =	vgt.s32 v23, $0x0;
	v22 =	vld.idx.msk [tilespmem:v20+s3+$0x0], $0xffff;
	vm14 =	vgt.s32 v19, $0x0  }
0x90: {  	s21 =	smov.u32 s13;
	s26 =	smov.u32 s7;
	s22 =	sadd.s32 $0x1C, s17;
	v20 =	vmin.u32 v18, $0x3FE;
	v18 =	vld.idx.msk [tilespmem:v9+s3+$0x0], $0xffff;
	[tilespmem:s24+$0x380] =	vst v7;
	v7 =	vmin.u32 v5, $0x3FE;
	v5 =	vnsel vm14, $0x0, v19  }
0x91: {  	s13 =	sadd.s32 $0xFFFFFFE0, s13;
	v9 =	vmovc v11;
	s24 =	smov.u32 s1;
	s1 =	sadd.s32 $0x16, s21;
	v19 =	vadd.s32 s22, v0;
	v11 =	vmin.u32 v5, $0x3FE;
	v5 =	vnsel vm15, $0x0, v23;
	[tilespmem:s23+$0x100] =	vst v63  }
0x92: {  	_ =	sdelay $0x2  }
0x93: {  	v23 =	vadd.s32 s1, v0;
	[tilespmem:s29+$0x200] =	vst v21  }
0x94: {  	vm0 =	vgt.s32 v23, $0x0;
	v13 =	vld.idx.msk [tilespmem:v13+s3+$0x0], $0xffff;
	[tilespmem:s30+$0x200] =	vst v22  }
0x95: {  	v36 =	vnsel vm0, $0x0, v23;
	v20 =	vld.idx.msk [tilespmem:v20+s3+$0x0], $0xffff  }
0x96: {  	v21 =	vmin.u32 v36, $0x3FE;
	_ =	sdelay $0x1  }
0x97: {  	s0 =	sadd.s32 $0x17, s21  }
0x98: {  	v37 =	vadd.s32 s0, v0;
	[tilespmem:s29+$0x280] =	vst v13  }
0x99: {  	vm15 =	vgt.s32 v37, $0x0;
	v12 =	vld.idx.msk [tilespmem:v12+s3+$0x0], $0xffff;
	[tilespmem:s30+$0x280] =	vst v20  }
0x9a: {  	v38 =	vnsel vm15, $0x0, v37;
	v20 =	vld.idx.msk [tilespmem:v21+s3+$0x0], $0xffff  }
0x9b: {  	v13 =	vmin.u32 v38, $0x3FE;
	_ =	sdelay $0x1  }
0x9c: {  	s11 =	sadd.s32 $0x18, s21  }
0x9d: {  	v39 =	vadd.s32 s11, v0;
	[tilespmem:s29+$0x300] =	vst v12  }
0x9e: {  	vm4 =	vgt.s32 v39, $0x0;
	v10 =	vld.idx.msk [tilespmem:v10+s3+$0x0], $0xffff;
	[tilespmem:s30+$0x300] =	vst v20  }
0x9f: {  	v40 =	vnsel vm4, $0x0, v39;
	v13 =	vld.idx.msk [tilespmem:v13+s3+$0x0], $0xffff  }
0xa0: {  	v41 =	vmin.u32 v40, $0x3FE;
	_ =	sdelay $0x1  }
0xa1: {  	s12 =	sadd.s32 $0x19, s21  }
0xa2: {  	v42 =	vadd.s32 s12, v0;
	[tilespmem:s29+$0x380] =	vst v10  }
0xa3: {  	vm5 =	vgt.s32 v42, $0x0;
	v8 =	vld.idx.msk [tilespmem:v8+s3+$0x0], $0xffff;
	[tilespmem:s30+$0x380] =	vst v13  }
0xa4: {  	v43 =	vnsel vm5, $0x0, v42;
	v12 =	vld.idx.msk [tilespmem:v41+s3+$0x0], $0xffff  }
0xa5: {  	v44 =	vmin.u32 v43, $0x3FE;
	s8 =	rddreg [dreg:$0x5]  }
0xa6: {  	s13 =	sadd.s32 s25, s8  }
0xa7: {  	s2 =	sadd.s32 $0x1A, s21;
	s1 =	sadd.s32 s28, s13  }
0xa8: {  	v45 =	vadd.s32 s2, v0;
	s14 =	sadd.s32 s26, s13;
	[tilespmem:s1+$0x0] =	vst v8  }
0xa9: {  	vm6 =	vgt.s32 v45, $0x0;
	v6 =	vld.idx.msk [tilespmem:v6+s3+$0x0], $0xffff;
	[tilespmem:s14+$0x0] =	vst v12  }
0xaa: {  	v46 =	vnsel vm6, $0x0, v45;
	v10 =	vld.idx.msk [tilespmem:v44+s3+$0x0], $0xffff  }
0xab: {  	v47 =	vmin.u32 v46, $0x3FE;
	_ =	sdelay $0x1  }
0xac: {  	s15 =	sadd.s32 $0x1B, s21  }
0xad: {  	v48 =	vadd.s32 s15, v0;
	[tilespmem:s1+$0x80] =	vst v6  }
0xae: {  	vm7 =	vgt.s32 v48, $0x0;
	v9 =	vld.idx.msk [tilespmem:v9+s3+$0x0], $0xffff;
	[tilespmem:s14+$0x80] =	vst v10  }
0xaf: {  	v49 =	vnsel vm7, $0x0, v48;
	v8 =	vld.idx.msk [tilespmem:v47+s3+$0x0], $0xffff  }
0xb0: {  	v50 =	vmin.u32 v49, $0x3FE  }
0xb1: {  	vm8 =	vgt.s32 v19, $0x0  }
0xb2: {  	s16 =	sadd.s32 $0x1C, s21;
	v51 =	vld.idx.msk [tilespmem:v17+s3+$0x0], $0xffff;
	v52 =	vnsel vm8, $0x0, v19;
	[tilespmem:s24+$0x100] =	vst v18  }
0xb3: {  	v53 =	vadd.s32 s16, v0;
	v4 =	vld.idx.msk [tilespmem:v4+s3+$0x0], $0xffff;
	v12 =	vmin.u32 v52, $0x3FE;
	[tilespmem:s1+$0x100] =	vst v9  }
0xb4: {  	vm9 =	vgt.s32 v53, $0x0;
	v9 =	vld.idx.msk [tilespmem:v16+s3+$0x0], $0xffff;
	[tilespmem:s14+$0x100] =	vst v8  }
0xb5: {  	s18 =	sadd.s32 $0x1D, s17;
	v54 =	vnsel vm9, $0x0, v53;
	v6 =	vld.idx.msk [tilespmem:v50+s3+$0x0], $0xffff  }
0xb6: {  	v55 =	vadd.s32 s18, v0;
	v8 =	vmin.u32 v54, $0x3FE  }
0xb7: {  	vm10 =	vgt.s32 v55, $0x0;
	[tilespmem:s23+$0x180] =	vst v51  }
0xb8: {  	s19 =	sadd.s32 $0x1D, s21;
	v56 =	vnsel vm10, $0x0, v55;
	[tilespmem:s24+$0x180] =	vst v4;
	v10 =	vld.idx.msk [tilespmem:v12+s3+$0x0], $0xffff  }
0xb9: {  	v57 =	vadd.s32 s19, v0;
	v3 =	vld.idx.msk [tilespmem:v3+s3+$0x0], $0xffff;
	v12 =	vmin.u32 v56, $0x3FE;
	[tilespmem:s1+$0x180] =	vst v9  }
0xba: {  	vm11 =	vgt.s32 v57, $0x0;
	v58 =	vld.idx.msk [tilespmem:v15+s3+$0x0], $0xffff;
	[tilespmem:s14+$0x180] =	vst v6  }
0xbb: {  	s20 =	sadd.s32 $0x1E, s17;
	v4 =	vnsel vm11, $0x0, v57;
	v6 =	vld.idx.msk [tilespmem:v8+s3+$0x0], $0xffff  }
0xbc: {  	v59 =	vadd.s32 s20, v0;
	v4 =	vmin.u32 v4, $0x3FE  }
0xbd: {  	vm12 =	vgt.s32 v59, $0x0;
	[tilespmem:s23+$0x200] =	vst v10  }
0xbe: {  	s22 =	sadd.s32 $0x1E, s21;
	[tilespmem:s24+$0x200] =	vst v3;
	v10 =	vld.idx.msk [tilespmem:v12+s3+$0x0], $0xffff;
	v9 =	vnsel vm12, $0x0, v59  }
0xbf: {  	v3 =	vadd.s32 s22, v0;
	v2 =	vld.idx.msk [tilespmem:v2+s3+$0x0], $0xffff;
	v9 =	vmin.u32 v9, $0x3FE;
	[tilespmem:s1+$0x200] =	vst v58  }
0xc0: {  	vm13 =	vgt.s32 v3, $0x0;
	v60 =	vld.idx.msk [tilespmem:v14+s3+$0x0], $0xffff;
	[tilespmem:s14+$0x200] =	vst v6  }
0xc1: {  	s25 =	sadd.s32 $0x1F, s17;
	v3 =	vnsel vm13, $0x0, v3;
	v4 =	vld.idx.msk [tilespmem:v4+s3+$0x0], $0xffff  }
0xc2: {  	v61 =	vadd.s32 s25, v0;
	v3 =	vmin.u32 v3, $0x3FE  }
0xc3: {  	vm14 =	vgt.s32 v61, $0x0;
	[tilespmem:s23+$0x280] =	vst v10  }
0xc4: {  	[tilespmem:s24+$0x280] =	vst v2;
	v8 =	vnsel vm14, $0x0, v61;
	v9 =	vld.idx.msk [tilespmem:v9+s3+$0x0], $0xffff  }
0xc5: {  	s26 =	sadd.s32 $0x1F, s21;
	v1 =	vld.idx.msk [tilespmem:v1+s3+$0x0], $0xffff;
	v8 =	vmin.u32 v8, $0x3FE;
	[tilespmem:s1+$0x280] =	vst v60  }
0xc6: {  	v2 =	vadd.s32 s26, v0;
	v62 =	vld.idx.msk [tilespmem:v11+s3+$0x0], $0xffff;
	[tilespmem:s14+$0x280] =	vst v4  }
0xc7: {  	vm15 =	vgt.s32 v2, $0x0;
	v3 =	vld.idx.msk [tilespmem:v3+s3+$0x0], $0xffff  }
0xc8: {  	v5 =	vmin.u32 v5, $0x3FE;
	v2 =	vnsel vm15, $0x0, v2  }
0xc9: {  	v2 =	vmin.u32 v2, $0x3FE;
	[tilespmem:s23+$0x300] =	vst v9  }
0xca: {  	[tilespmem:s24+$0x300] =	vst v1;
	v63 =	vld.idx.msk [tilespmem:v8+s3+$0x0], $0xffff  }
0xcb: {  	v1 =	vld.idx.msk [tilespmem:v7+s3+$0x0], $0xffff;
	[tilespmem:s1+$0x300] =	vst v62  }
0xcc: {  	[tilespmem:s14+$0x300] =	vst v3  }
0xcd: {  	v3 =	vld.idx.msk [tilespmem:v5+s3+$0x0], $0xffff;
	s7 =	rddreg [dreg:$0x10]  }
0xce: {  	v2 =	vld.idx.msk [tilespmem:v2+s3+$0x0], $0xffff;
	s2 =	sxor.u32 $0x1F, s7  }
0xcf: {  	s5 =	rddreg [dreg:$0x7];
	[tilespmem:s23+$0x380] =	vst v63;
	s4 =	sshll.u32 s2, $0x4  }
0xd0: {  	[tilespmem:s24+$0x380] =	vst v1;
	s4 =	ssub.s32 s4, s5  }
0xd1: {  	s6 =	rddreg [dreg:$0x8];
	s5 =	sshll.u32 @p0 s4, $0x9  }
0xd2: {  	[tilespmem:s1+$0x380] =	vst v3;
	s5 =	sor.u32 @p0 s6, s5  }
0xd3: {  	[tilespmem:s14+$0x380] =	vst v2;
	s0 =	sshrl.u32 @p0 s5, $0x3;
	s5 =	rddreg [dreg:$0x2]  }
0xd4: {  	s1 =	simm.s32 @p0 $0x0;
	s6 =	rddreg [dreg:$0x4];
	s0 =	sadd.s32 @p0 s5, s0  }
0xd5: {  	[hbm4b:s0+s1] =	stream.linear.scatter @p0 [tilespmem:s6], [sflag:$0x1], $0x1000, $0x38;
	[tilespmem:$0x14400] =	vst v63  }
0xd6: {  	s0 =	sadd.s32 @p0 $0x200, s0  }
0xd7: {  	[hbm4b:s0+s1] =	stream.linear.scatter @p0 [tilespmem:s8], [sflag:$0x1], $0x1000, $0x38;
	[tilespmem:$0x14400] =	vst v63  }
0xd8: {  	s0 =	sshll.u32 @!p0 s4, $0x6;
	s4 =	rddreg [dreg:$0x9]  }
0xd9: {  	s7 =	sadd.s32 $0x1, s7;
	s0 =	sadd.s32 @!p0 s0, s4;
	s4 =	simm.s32 @!p0 $0x0  }
0xda: {  	[hbm4b:s0+s4] =	stream.linear.scatter @!p0 [tilespmem:s6], [sflag:$0x1], $0x1000, $0x38;
	[tilespmem:$0x14400] =	vst v63  }
0xdb: {  	p1 =	sne.s32 s7, $0x8;
	s1 =	sshll.u32 @p0 s2, $0xD;
	s6 =	rddreg [dreg:$0xb]  }
0xdc: {  	s28 =	rddreg [dreg:$0x11];
	s0 =	sadd.s32 @!p0 $0x200, s0;
	s1 =	sadd.s32 @p0 s6, s1  }
0xdd: {  	[hbm4b:s0+s4] =	stream.linear.scatter @!p0 [tilespmem:s8], [sflag:$0x1], $0x1000, $0x38;
	[tilespmem:$0x14400] =	vst v63  }
0xde: {  	s0 =	sshrl.u32 @p0 s1, $0x3;
	s1 =	sshll.u32 @!p0 s2, $0xA;
	s2 =	rddreg [dreg:$0xc]  }
.Ltmp1:
0xdf: {  	s0 =	sadd.s32 @p0 s5, s0;
	s1 =	sadd.s32 @!p0 s2, s1;
	(pc) =	sbr.rel @p1 .LBB2_2-.Ltmp1, $4  }
0xe0: {  	s31 =	rddreg [dreg:$0xf];
	s29 =	sadd.s32 $0x800, s28;
	s1 =	smov.u32 @p0 s0  }
0xe1: {  	[hbm4b:s1+s3] =	stream.linear.scatter [tilespmem:s29], [sflag:$0x1], $0x1000, $0x38;
	[tilespmem:$0x14400] =	vst v63  }
0xe2: {  	s30 =	sadd.s32 $0x1C00, s28;
	s6 =	sadd.s32 $0xFFFFFFF0, s31;
	s1 =	sadd.s32 $0x200, s1  }
0xe3: {  	[hbm4b:s1+s3] =	stream.linear.scatter [tilespmem:s30], [sflag:$0x1], $0x1000, $0x38;
	[tilespmem:$0x14400] =	vst v63  }
0xe4: {  	s1 =	simm.s32 $0x1  }
0xe5: {  	_ =	swait.ge [sflag:s1], $0x2000  }
0xe6: {  	[sflag:s1] =	ssyncset.done $0x0  }
0xe7: {  	[sflag:s1] =	ssyncadd.s32 $0xFFFFE000  }
0xe8: {  	_ =	swait.ge [sflag:s1], $0x2000  }
0xe9: {  	[sflag:s1] =	ssyncset.done $0x0  }
0xea: {  	[sflag:s1] =	ssyncadd.s32 $0xFFFFE000  }
0xeb: {  	_ =	swait.ge [sflag:s1], $0x2000  }
0xec: {  	[sflag:s1] =	ssyncset.done $0x0  }
0xed: {  	[sflag:s1] =	ssyncadd.s32 $0xFFFFE000  }
0xee: {  	_ =	swait.ge [sflag:s1], $0x2000  }
0xef: {  	[sflag:s1] =	ssyncset.done $0x0  }
0xf0: {  	[sflag:s1] =	ssyncadd.s32 $0xFFFFE000  }
0xf1: {  	_ =	swait.ge [sflag:s1], $0x2000  }
0xf2: {  	[sflag:s1] =	ssyncset.done $0x0  }
0xf3: {  	[sflag:s1] =	ssyncadd.s32 $0xFFFFE000  }
0xf4: {  	_ =	swait.ge [sflag:s1], $0x2000  }
0xf5: {  	[sflag:s1] =	ssyncset.done $0x0  }
0xf6: {  	[sflag:s1] =	ssyncadd.s32 $0xFFFFE000  }
0xf7: {  	_ =	swait.ge [sflag:s1], $0x2000  }
0xf8: {  	[sflag:s1] =	ssyncset.done $0x0  }
0xf9: {  	[sflag:s1] =	ssyncadd.s32 $0xFFFFE000  }
0xfa: {  	_ =	swait.ge [sflag:s1], $0x2000  }
0xfb: {  	[sflag:s1] =	ssyncset.done $0x0  }
0xfc: {  	[sflag:s1] =	ssyncadd.s32 $0xFFFFE000  }
0xfd: {  	_ =	swait.ge [sflag:s1], $0x2000  }
0xfe: {  	[sflag:s1] =	ssyncset.done $0x0  }
0xff: {  	[sflag:s1] =	ssyncadd.s32 $0xFFFFE000  }
0x100: {  	_ =	swait.ge [sflag:s1], $0x2000  }
0x101: {  	[sflag:s1] =	ssyncset.done $0x0  }
0x102: {  	[sflag:s1] =	ssyncadd.s32 $0xFFFFE000  }
0x103: {  	_ =	swait.ge [sflag:s1], $0x2000  }
0x104: {  	[sflag:s1] =	ssyncset.done $0x0  }
0x105: {  	[sflag:s1] =	ssyncadd.s32 $0xFFFFE000  }
0x106: {  	_ =	swait.ge [sflag:s1], $0x2000  }
0x107: {  	[sflag:s1] =	ssyncset.done $0x0  }
0x108: {  	[sflag:s1] =	ssyncadd.s32 $0xFFFFE000  }
0x109: {  	_ =	swait.ge [sflag:s1], $0x2000  }
0x10a: {  	[sflag:s1] =	ssyncset.done $0x0  }
0x10b: {  	[sflag:s1] =	ssyncadd.s32 $0xFFFFE000  }
0x10c: {  	_ =	swait.ge [sflag:s1], $0x2000  }
0x10d: {  	[sflag:s1] =	ssyncset.done $0x0  }
0x10e: {  	[sflag:s1] =	ssyncadd.s32 $0xFFFFE000  }
0x10f: {  	_ =	swait.ge [sflag:s1], $0x2000  }
0x110: {  	[sflag:s1] =	ssyncset.done $0x0  }
0x111: {  	[sflag:s1] =	ssyncadd.s32 $0xFFFFE000  }
0x112: {  	_ =	swait.ge [sflag:s1], $0x2000  }
0x113: {  	s2 =	rddreg [dreg:$0xe]  }
0x114: {  	s0 =	rddreg [dreg:$0xa];
	s2 =	sadd.s32 $0x1, s2  }
0x115: {  	p1 =	sne.s32 s2, s0  }
.Ltmp2:
0x116: {  	_ = 	snop;
	(pc) =	sbr.rel @p1 .LBB2_1-.Ltmp2, $3  }
0x117: {  	_ =	sdelay $0x1  }
0x118: {  	[sflag:s1] =	ssyncset.done $0x0  }
0x119: {  	[sflag:s1] =	ssyncadd.s32 $0xFFFFE000  }
0x11a: {  	_ =	sfence.sel $0x180000  }
0x11b: {  	[bflag:$0x0] =	sbarrier.arrive $0xFFFF  }
0x11c: {  	_ =	strace $0x90000047  }
0x11d: {  	s0 =	stileid.u32;
	[bflag:$0x2] =	sbarrier.arrive $0xFFFF  }
0x11e: {  	p0 =	sne.s32 s0, $0x0;
	s0 =	rddreg [dreg:$0x3]  }
0x11f: {  	s0 =	sadd.s32 @!p0 $0x100000, s0  }
0x120: {  	[sflag:s0] =	ssyncadd.tile.s32 @!p0 $0x1;
	_ =	shalt  }
.Lfunc_end2:
_tile_overlayer_lowered:
.L_overlay_start_2:
0x121: {  	(tag) =	ssettag $0x2  }
0x122: {  	s0 =	rddreg [dreg:$0x0];
	s2 =	stileid.u32  }
0x123: {  	s1 =	rddreg [dreg:$0x1];
	p0 =	sne.s32 s2, $0x0  }
0x124: {  	s3 =	rddreg [dreg:$0x2];
	[bflag:$0x3] =	sbarrier.arrive $0xFFFF;
	s2 =	simm.s32 @!p0 $0x1C02  }
0x125: {  	[timem:s3], [sflag:s2] =	dma.local @!p0 [hbm:s0], s1  }
0x126: {  	s0 =	simm.s32 @!p0 $0x2  }
0x127: {  	_ =	swait.ge @!p0 [sflag:s0], s1  }
0x128: {  	s1 =	ssub.s32 @!p0 $0x0, s1;
	[sflag:s0] =	ssyncset.done @!p0 $0x0  }
0x129: {  	[sflag:s0] =	ssyncadd.s32 @!p0 s1  }
0x12a: {  	[bflag:$0x3] =	sbarrier.arrive $0xFFFF  }
0x12b: {  	_ =	shalt  }

</sc_bundles>
